<compile_context>
chip_gen: v7x
topology: tpu7x:2x2x1
jax: 0.10.2.dev20260603
libtpu: 0.0.44.dev20260713+nightly
codegen_flags: <defaults>
</compile_context>

<pallas_src>
import jax
import jax.numpy as jnp
from jax import lax
from jax.experimental import pallas as pl
from jax.experimental.pallas import tpu as pltpu
from jax.experimental.pallas import tpu_sc as plsc

B = 2
Q = 100
NPTS = 50000
M = 30
NUM_CLASSES = 20
NUM_POINTS = 12288
W_CE = 2.0
W_MASK = 5.0
W_DICE = 5.0

MPAD = 32
NC = 2
NS = 16
NW = NC * NS
LANES = 16
UNROLL = 4

_SC_PARAMS = pltpu.CompilerParams(
    needs_layout_passes=False, use_tc_tiling_on_sc=False)


def _gather_one_row(row_v, idxb_v, tbuf):
    def body(i, carry):
        base = i * (LANES * UNROLL)
        ivs = [idxb_v[pl.ds(base + u * LANES, LANES)] for u in range(UNROLL)]
        vals = [plsc.load_gather(row_v, [iv]) for iv in ivs]
        for u in range(UNROLL):
            tbuf[pl.ds(base + u * LANES, LANES)] = vals[u]
        return carry

    lax.fori_loop(0, NUM_POINTS // (LANES * UNROLL), body, 0)


def _run_row_task(src_row, idx_row, dst_row, row_v, idxb_v, tbuf):
    pltpu.sync_copy(src_row, row_v)
    pltpu.sync_copy(idx_row, idxb_v)
    _gather_one_row(row_v, idxb_v, tbuf)
    pltpu.sync_copy(tbuf, dst_row)


def _tgt_gather(tgt_hbm, idx_hbm, t_hbm, row_v, idxb_v, tbuf):
    wid = lax.axis_index("s") * NC + lax.axis_index("c")

    def do_task(p):
        b = p // M
        m = p % M
        _run_row_task(tgt_hbm.at[b, m], idx_hbm.at[b], t_hbm.at[b, m],
                      row_v, idxb_v, tbuf)

    do_task(wid)

    @pl.when(wid < B * M - NW)
    def _():
        do_task(wid + NW)


def _pred_gather(predt_hbm, idx_hbm, x_hbm, row_v, idxb_v, tbuf):
    wid = lax.axis_index("s") * NC + lax.axis_index("c")

    def do_task(p):
        b = p // M
        m = p % M
        _run_row_task(predt_hbm.at[m, b], idx_hbm.at[b], x_hbm.at[b, m],
                      row_v, idxb_v, tbuf)

    do_task(wid)

    @pl.when(wid < B * M - NW)
    def _():
        do_task(wid + NW)


def _loss(x_ref, t_ref, logits_ref, tgtcls_ref, cw_ref, out_ref):
    x = x_ref[...]
    t = t_ref[...]
    rows = B * MPAD
    mrow = lax.rem(lax.broadcasted_iota(jnp.int32, (rows,), 0), MPAD) < M
    mmask = lax.rem(
        lax.broadcasted_iota(jnp.int32, (rows, 1, 1), 0), MPAD) < M
    x = jnp.where(mmask, x, 0.0)
    t = jnp.where(mmask, t, 0.0)
    s = 1.0 / (1.0 + jnp.exp(-x))
    num = 2.0 * jnp.sum(jnp.sum(s * t, axis=-1), axis=-1)
    den = (jnp.sum(jnp.sum(s, axis=-1), axis=-1)
           + jnp.sum(jnp.sum(t, axis=-1), axis=-1))
    dice_terms = 1.0 - (num + 1.0) / (den + 1.0)
    inv_masks = 1.0 / float(B * M)
    loss_dice = jnp.sum(jnp.where(mrow, dice_terms, 0.0)) * inv_masks
    bce = jnp.maximum(x, 0.0) - x * t + jnp.log1p(jnp.exp(-jnp.abs(x)))
    bce_row = jnp.sum(jnp.sum(bce, axis=-1), axis=-1) * (1.0 / NUM_POINTS)
    loss_mask = jnp.sum(jnp.where(mrow, bce_row, 0.0)) * inv_masks

    logits = logits_ref[...]
    zmax = jnp.max(logits, axis=-1, keepdims=True)
    lse = zmax + jnp.log(jnp.sum(jnp.exp(logits - zmax), axis=-1,
                                 keepdims=True))
    logp = logits - lse
    tgt_full = jnp.concatenate(
        [tgtcls_ref[...],
         jnp.full((B, Q - M), NUM_CLASSES, jnp.int32)], axis=1)
    oh = (lax.broadcasted_iota(jnp.int32, (B, Q, NUM_CLASSES + 1), 2)
          == tgt_full[:, :, None])
    nll = -jnp.sum(jnp.where(oh, logp, 0.0), axis=-1)
    w = jnp.sum(jnp.where(oh, cw_ref[...], 0.0), axis=-1)
    loss_ce = jnp.sum(nll * w) / jnp.sum(w)

    out_ref[...] = jnp.stack(
        [W_CE * loss_ce, W_MASK * loss_mask, W_DICE * loss_dice])


def kernel(pred_logits, pred_masks, target_masks, target_classes,
           sampled_idx, class_weights):
    idx = sampled_idx.astype(jnp.int32)
    mesh = plsc.VectorSubcoreMesh(core_axis_name="c", subcore_axis_name="s")

    predt = lax.slice(jnp.transpose(pred_masks, (2, 0, 1)),
                      (0, 0, 0), (M, B, NPTS))

    sc_scratch = [
        pltpu.VMEM((NPTS,), jnp.float32),
        pltpu.VMEM((NUM_POINTS,), jnp.int32),
        pltpu.VMEM((NUM_POINTS,), jnp.float32),
    ]
    t_g = pl.kernel(
        _tgt_gather,
        out_type=jax.ShapeDtypeStruct((B, MPAD, NUM_POINTS), jnp.float32),
        mesh=mesh,
        compiler_params=_SC_PARAMS,
        scratch_types=sc_scratch,
    )(target_masks, idx)

    x_g = pl.kernel(
        _pred_gather,
        out_type=jax.ShapeDtypeStruct((B, MPAD, NUM_POINTS), jnp.float32),
        mesh=mesh,
        compiler_params=_SC_PARAMS,
        scratch_types=sc_scratch,
    )(predt, idx)

    cw3 = class_weights.reshape(1, 1, NUM_CLASSES + 1)
    v = (B * MPAD, NUM_POINTS // 128, 128)
    return pl.pallas_call(
        _loss,
        out_shape=jax.ShapeDtypeStruct((3,), jnp.float32),
    )(x_g.reshape(v), t_g.reshape(v), pred_logits.astype(jnp.float32),
      target_classes.astype(jnp.int32), cw3)

# --- scband reference (transcript-rebuilt; emitter-appended) ---
"""Pipeline reference for scband-fixed-mask-loss-37194416784077 (READ-ONLY COPY).

The authoritative reference and input builder live on the scoring server;
editing this copy changes nothing except your own understanding.
"""

import jax, jax.numpy as jnp
import numpy as np

B = 2; Q = 100; NPTS = 50000; M = 30; NUM_CLASSES = 20; NUM_POINTS = 12288; EOS_COEF = 0.1
W_CE = 2.0; W_MASK = 5.0; W_DICE = 5.0

def setup_inputs(seed: int = 0):
    key = jax.random.key(seed)
    k1, k2, k3, k4, k5 = jax.random.split(key, 5)
    pred_logits = jax.random.normal(k1, (B, Q, NUM_CLASSES + 1), dtype=jnp.float32)
    pred_masks = jax.random.normal(k2, (B, NPTS, Q), dtype=jnp.float32)
    target_masks = (jax.random.uniform(k3, (B, M, NPTS)) < 0.1).astype(jnp.float32)
    target_classes = jax.random.randint(k4, (B, M), 1, NUM_CLASSES)
    sampled_idx = jax.random.randint(k5, (B, NUM_POINTS), 0, NPTS)
    class_weights = jnp.ones((NUM_CLASSES + 1,), dtype=jnp.float32)
    class_weights = class_weights.at[0].set(0.0).at[NUM_CLASSES].set(EOS_COEF)
    return {'pred_logits': pred_logits, 'pred_masks': pred_masks, 'target_masks': target_masks,
            'target_classes': target_classes, 'sampled_idx': sampled_idx, 'class_weights': class_weights}

def reference(pred_logits, pred_masks, target_masks, target_classes, sampled_idx, class_weights):
    num_masks = float(B * M)
    # Hungarian matcher is external/undefined in the snippet; use identity assignment
    # (src = tgt = arange(M) per batch), which preserves all downstream gather/loss math.
    tgt_full = jnp.full((B, Q), NUM_CLASSES, dtype=jnp.int32)
    tgt_full = tgt_full.at[:, :M].set(target_classes.astype(jnp.int32))
    # weighted cross entropy (F.cross_entropy with class weights; ignore_index=-100 never hit)
    logp = jax.nn.log_softmax(pred_logits.astype(jnp.float32), axis=-1)
    nll = -jnp.take_along_axis(logp, tgt_full[..., None], axis=-1)[..., 0]
    w = class_weights[tgt_full]
    loss_ce = (nll * w).sum() / w.sum()
    # mask losses on sampled points
    pred_sel = jnp.transpose(pred_masks[:, :, :M], (0, 2, 1)).reshape(B * M, NPTS)
    tgt_sel = target_masks.reshape(B * M, NPTS)
    pls = []; tls = []
    for b in range(B):
        idx = sampled_idx[b]
        pls.append(pred_sel[b * M:(b + 1) * M][:, idx])
        tls.append(tgt_sel[b * M:(b + 1) * M][:, idx])
    point_logits = jnp.concatenate(pls, 0)
    point_labels = jnp.concatenate(tls, 0)
    s = jax.nn.sigmoid(point_logits)
    numerator = 2.0 * (s * point_labels).sum(-1)
    denominator = s.sum(-1) + point_labels.sum(-1)
    loss_dice = (1.0 - (numerator + 1.0) / (denominator + 1.0)).sum() / num_masks
    x = point_logits; t = point_labels
    bce = jnp.maximum(x, 0.0) - x * t + jnp.log1p(jnp.exp(-jnp.abs(x)))
    loss_mask = bce.mean(1).sum() / num_masks
    return jnp.stack([W_CE * loss_ce, W_MASK * loss_mask, W_DICE * loss_dice])

if __name__ == "__main__":
    import jax
    _d = setup_inputs()
    print(jax.jit(kernel)(*tuple(_d.values())))

</pallas_src>

<mosaic_0001>
#map = affine_map<(d0, d1) -> (0, 0, 0)>
#map1 = affine_map<(d0, d1) -> (0, 0)>
module attributes {stable_mosaic.version = 14 : i64} {
  func.func @_tgt_gather(%arg0: i32, %arg1: i32, %arg2: memref<2x30x50000xf32, #tpu.memory_space<hbm>>, %arg3: memref<2x12288xi32, #tpu.memory_space<hbm>>, %arg4: memref<2x32x12288xf32, #tpu.memory_space<hbm>>, %arg5: memref<50000xf32, #tpu.memory_space<vmem>>, %arg6: memref<12288xi32, #tpu.memory_space<vmem>>, %arg7: memref<12288xf32, #tpu.memory_space<vmem>>) attributes {dimension_semantics = [#tpu.dimension_semantics<core_parallel>, #tpu.dimension_semantics<subcore_parallel>], iteration_bounds = array<i64: 2, 16>, scalar_prefetch = 0 : i64, scratch_operands = 3 : i64, tpu.core_type = #tpu.core_type<sc_vector_subcore>, window_params = [{transform_indices = #map}, {transform_indices = #map1}, {transform_indices = #map}]} {
    %mul3A = arith.constant 2 : i32
    %mul3A_0 = arith.muli %arg1, %mul3A : i32
    %add3A = arith.addi %mul3A_0, %arg0 : i32
    %jit3A = arith.constant 30 : i32
    %div3A = arith.divsi %add3A, %jit3A : i32
    %sign3A = arith.constant 0 : i32
    %sign3A_1 = arith.cmpi sgt, %add3A, %sign3A : i32
    %sign3A_2 = arith.extui %sign3A_1 : i1 to i32
    %sign3A_3 = arith.constant 0 : i32
    %sign3A_4 = arith.cmpi slt, %add3A, %sign3A_3 : i32
    %sign3A_5 = arith.extui %sign3A_4 : i1 to i32
    %sign3A_6 = arith.subi %sign3A_2, %sign3A_5 : i32
    %sign3A_7 = arith.constant 0 : i32
    %sign3A_8 = arith.cmpi sgt, %jit3A, %sign3A_7 : i32
    %sign3A_9 = arith.extui %sign3A_8 : i1 to i32
    %sign3A_10 = arith.constant 0 : i32
    %sign3A_11 = arith.cmpi slt, %jit3A, %sign3A_10 : i32
    %sign3A_12 = arith.extui %sign3A_11 : i1 to i32
    %sign3A_13 = arith.subi %sign3A_9, %sign3A_12 : i32
    %ne3A = arith.cmpi ne, %sign3A_6, %sign3A_13 : i32
    %rem3A = arith.remsi %add3A, %jit3A : i32
    %ne3A_14 = arith.constant 0 : i32
    %ne3A_15 = arith.cmpi ne, %rem3A, %ne3A_14 : i32
    %and3A = arith.andi %ne3A, %ne3A_15 : i1
    %sub3A = arith.constant 1 : i32
    %sub3A_16 = arith.subi %div3A, %sub3A : i32
    %select_n3A = arith.select %and3A, %sub3A_16, %div3A : i32
    %jit3A_17 = arith.constant 30 : i32
    %eq3A = arith.constant 0 : i32
    %eq3A_18 = arith.cmpi eq, %jit3A_17, %eq3A : i32
    %jit3A_19 = arith.constant 1 : i32
    %select_n3A_20 = arith.select %eq3A_18, %jit3A_19, %jit3A_17 : i32
    %rem3A_21 = arith.remsi %add3A, %select_n3A_20 : i32
    %ne3A_22 = arith.constant 0 : i32
    %ne3A_23 = arith.cmpi ne, %rem3A_21, %ne3A_22 : i32
    %lt3A = arith.constant 0 : i32
    %lt3A_24 = arith.cmpi slt, %rem3A_21, %lt3A : i32
    %lt3A_25 = arith.constant 0 : i32
    %lt3A_26 = arith.cmpi slt, %select_n3A_20, %lt3A_25 : i32
    %ne3A_27 = arith.xori %lt3A_24, %lt3A_26 : i1
    %and3A_28 = arith.andi %ne3A_27, %ne3A_23 : i1
    %add3A_29 = arith.addi %rem3A_21, %select_n3A_20 : i32
    %select_n3A_30 = arith.select %and3A_28, %add3A_29, %rem3A_21 : i32
    "tpu.region"() ({
      %run_scoped3A = tpu.sem_alloc : memref<!tpu.dma_semaphore, #tpu.memory_space<semaphore_mem>>
      %dma_start3A = arith.constant 0 : i32
      %dma_start3A_39 = tpu.memref_slice %arg2[%select_n3A, %select_n3A_30, %dma_start3A] : memref<2x30x50000xf32, #tpu.memory_space<hbm>> -> memref<1x1x50000xf32, #tpu.memory_space<hbm>>
      %dma_start3A_40 = tpu.memref_squeeze %dma_start3A_39 : memref<1x1x50000xf32, #tpu.memory_space<hbm>> -> memref<50000xf32, #tpu.memory_space<hbm>>
      %dma_start3A_41 = arith.constant 0 : i32
      %dma_start3A_42 = tpu.memref_slice %arg2[%select_n3A, %select_n3A_30, %dma_start3A_41] : memref<2x30x50000xf32, #tpu.memory_space<hbm>> -> memref<1x1x50000xf32, #tpu.memory_space<hbm>>
      %dma_start3A_43 = tpu.memref_squeeze %dma_start3A_42 : memref<1x1x50000xf32, #tpu.memory_space<hbm>> -> memref<50000xf32, #tpu.memory_space<hbm>>
      tpu.enqueue_dma source(%dma_start3A_43 : memref<50000xf32, #tpu.memory_space<hbm>>) target(%arg5 : memref<50000xf32, #tpu.memory_space<vmem>>) target_semaphore(%run_scoped3A : memref<!tpu.dma_semaphore, #tpu.memory_space<semaphore_mem>>)
      %dma_wait3A = arith.constant 0 : i32
      %dma_wait3A_44 = tpu.memref_slice %arg2[%select_n3A, %select_n3A_30, %dma_wait3A] : memref<2x30x50000xf32, #tpu.memory_space<hbm>> -> memref<1x1x50000xf32, #tpu.memory_space<hbm>>
      %dma_wait3A_45 = tpu.memref_squeeze %dma_wait3A_44 : memref<1x1x50000xf32, #tpu.memory_space<hbm>> -> memref<50000xf32, #tpu.memory_space<hbm>>
      %dma_wait3A_46 = arith.constant 0 : i32
      %dma_wait3A_47 = tpu.memref_slice %arg2[%select_n3A, %select_n3A_30, %dma_wait3A_46] : memref<2x30x50000xf32, #tpu.memory_space<hbm>> -> memref<1x1x50000xf32, #tpu.memory_space<hbm>>
      %dma_wait3A_48 = tpu.memref_squeeze %dma_wait3A_47 : memref<1x1x50000xf32, #tpu.memory_space<hbm>> -> memref<50000xf32, #tpu.memory_space<hbm>>
      tpu.wait_dma2 semaphore(%run_scoped3A : memref<!tpu.dma_semaphore, #tpu.memory_space<semaphore_mem>>) src(%dma_wait3A_48 : memref<50000xf32, #tpu.memory_space<hbm>>) dst(%arg5 : memref<50000xf32, #tpu.memory_space<vmem>>)
      tpu.yield
    }) : () -> ()
    "tpu.region"() ({
      %run_scoped3A = tpu.sem_alloc : memref<!tpu.dma_semaphore, #tpu.memory_space<semaphore_mem>>
      %dma_start3A = arith.constant 0 : i32
      %dma_start3A_39 = tpu.memref_slice %arg3[%select_n3A, %dma_start3A] : memref<2x12288xi32, #tpu.memory_space<hbm>> -> memref<1x12288xi32, #tpu.memory_space<hbm>>
      %dma_start3A_40 = tpu.memref_squeeze %dma_start3A_39 : memref<1x12288xi32, #tpu.memory_space<hbm>> -> memref<12288xi32, #tpu.memory_space<hbm>>
      %dma_start3A_41 = arith.constant 0 : i32
      %dma_start3A_42 = tpu.memref_slice %arg3[%select_n3A, %dma_start3A_41] : memref<2x12288xi32, #tpu.memory_space<hbm>> -> memref<1x12288xi32, #tpu.memory_space<hbm>>
      %dma_start3A_43 = tpu.memref_squeeze %dma_start3A_42 : memref<1x12288xi32, #tpu.memory_space<hbm>> -> memref<12288xi32, #tpu.memory_space<hbm>>
      tpu.enqueue_dma source(%dma_start3A_43 : memref<12288xi32, #tpu.memory_space<hbm>>) target(%arg6 : memref<12288xi32, #tpu.memory_space<vmem>>) target_semaphore(%run_scoped3A : memref<!tpu.dma_semaphore, #tpu.memory_space<semaphore_mem>>)
      %dma_wait3A = arith.constant 0 : i32
      %dma_wait3A_44 = tpu.memref_slice %arg3[%select_n3A, %dma_wait3A] : memref<2x12288xi32, #tpu.memory_space<hbm>> -> memref<1x12288xi32, #tpu.memory_space<hbm>>
      %dma_wait3A_45 = tpu.memref_squeeze %dma_wait3A_44 : memref<1x12288xi32, #tpu.memory_space<hbm>> -> memref<12288xi32, #tpu.memory_space<hbm>>
      %dma_wait3A_46 = arith.constant 0 : i32
      %dma_wait3A_47 = tpu.memref_slice %arg3[%select_n3A, %dma_wait3A_46] : memref<2x12288xi32, #tpu.memory_space<hbm>> -> memref<1x12288xi32, #tpu.memory_space<hbm>>
      %dma_wait3A_48 = tpu.memref_squeeze %dma_wait3A_47 : memref<1x12288xi32, #tpu.memory_space<hbm>> -> memref<12288xi32, #tpu.memory_space<hbm>>
      tpu.wait_dma2 semaphore(%run_scoped3A : memref<!tpu.dma_semaphore, #tpu.memory_space<semaphore_mem>>) src(%dma_wait3A_48 : memref<12288xi32, #tpu.memory_space<hbm>>) dst(%arg6 : memref<12288xi32, #tpu.memory_space<vmem>>)
      tpu.yield
    }) : () -> ()
    %scan3A = arith.constant 0 : i32
    %scan3A_31 = arith.constant 0 : i32
    %scan3A_32 = arith.constant 192 : i32
    %scan3A_33 = arith.addi %scan3A_31, %scan3A_32 : i32
    %scan3A_34 = arith.constant 1 : i32
    scf.for %scan3A_39 = %scan3A_31 to %scan3A_33 step %scan3A_34  : i32 {
      %mul3A_40 = arith.constant 64 : i32
      %mul3A_41 = arith.muli %scan3A_39, %mul3A_40 : i32
      %add3A_42 = arith.constant 0 : i32
      %add3A_43 = arith.addi %mul3A_41, %add3A_42 : i32
      %get3A = arith.index_cast %add3A_43 : i32 to index
      %get3A_44 = tpu.vector_load %arg6[%get3A] {strides = array<i32>} : memref<12288xi32, #tpu.memory_space<vmem>>, vector<16xi32>,
      %add3A_45 = arith.constant 16 : i32
      %add3A_46 = arith.addi %mul3A_41, %add3A_45 : i32
      %get3A_47 = arith.index_cast %add3A_46 : i32 to index
      %get3A_48 = tpu.vector_load %arg6[%get3A_47] {strides = array<i32>} : memref<12288xi32, #tpu.memory_space<vmem>>, vector<16xi32>,
      %add3A_49 = arith.constant 32 : i32
      %add3A_50 = arith.addi %mul3A_41, %add3A_49 : i32
      %get3A_51 = arith.index_cast %add3A_50 : i32 to index
      %get3A_52 = tpu.vector_load %arg6[%get3A_51] {strides = array<i32>} : memref<12288xi32, #tpu.memory_space<vmem>>, vector<16xi32>,
      %add3A_53 = arith.constant 48 : i32
      %add3A_54 = arith.addi %mul3A_41, %add3A_53 : i32
      %get3A_55 = arith.index_cast %add3A_54 : i32 to index
      %get3A_56 = tpu.vector_load %arg6[%get3A_55] {strides = array<i32>} : memref<12288xi32, #tpu.memory_space<vmem>>, vector<16xi32>,
      %gather3A = tpu.vector_load_idx %arg5[%get3A_44] : memref<50000xf32, #tpu.memory_space<vmem>>[vector<16xi32>], vector<16xf32>,
      %gather3A_57 = tpu.vector_load_idx %arg5[%get3A_48] : memref<50000xf32, #tpu.memory_space<vmem>>[vector<16xi32>], vector<16xf32>,
      %gather3A_58 = tpu.vector_load_idx %arg5[%get3A_52] : memref<50000xf32, #tpu.memory_space<vmem>>[vector<16xi32>], vector<16xf32>,
      %gather3A_59 = tpu.vector_load_idx %arg5[%get3A_56] : memref<50000xf32, #tpu.memory_space<vmem>>[vector<16xi32>], vector<16xf32>,
      %add3A_60 = arith.constant 0 : i32
      %add3A_61 = arith.addi %mul3A_41, %add3A_60 : i32
      %swap3A = arith.index_cast %add3A_61 : i32 to index
      %swap3A_62 = tpu.vector_load %arg7[%swap3A] {strides = array<i32>} : memref<12288xf32, #tpu.memory_space<vmem>>, vector<16xf32>,
      tpu.vector_store %arg7[%swap3A], %gather3A {strides = array<i32>} : memref<12288xf32, #tpu.memory_space<vmem>>, vector<16xf32>,
      %add3A_63 = arith.constant 16 : i32
      %add3A_64 = arith.addi %mul3A_41, %add3A_63 : i32
      %swap3A_65 = arith.index_cast %add3A_64 : i32 to index
      %swap3A_66 = tpu.vector_load %arg7[%swap3A_65] {strides = array<i32>} : memref<12288xf32, #tpu.memory_space<vmem>>, vector<16xf32>,
      tpu.vector_store %arg7[%swap3A_65], %gather3A_57 {strides = array<i32>} : memref<12288xf32, #tpu.memory_space<vmem>>, vector<16xf32>,
      %add3A_67 = arith.constant 32 : i32
      %add3A_68 = arith.addi %mul3A_41, %add3A_67 : i32
      %swap3A_69 = arith.index_cast %add3A_68 : i32 to index
      %swap3A_70 = tpu.vector_load %arg7[%swap3A_69] {strides = array<i32>} : memref<12288xf32, #tpu.memory_space<vmem>>, vector<16xf32>,
      tpu.vector_store %arg7[%swap3A_69], %gather3A_58 {strides = array<i32>} : memref<12288xf32, #tpu.memory_space<vmem>>, vector<16xf32>,
      %add3A_71 = arith.constant 48 : i32
      %add3A_72 = arith.addi %mul3A_41, %add3A_71 : i32
      %swap3A_73 = arith.index_cast %add3A_72 : i32 to index
      %swap3A_74 = tpu.vector_load %arg7[%swap3A_73] {strides = array<i32>} : memref<12288xf32, #tpu.memory_space<vmem>>, vector<16xf32>,
      tpu.vector_store %arg7[%swap3A_73], %gather3A_59 {strides = array<i32>} : memref<12288xf32, #tpu.memory_space<vmem>>, vector<16xf32>,
    }
    %scan3A_35 = arith.constant 192 : i32
    "tpu.region"() ({
      %run_scoped3A = tpu.sem_alloc : memref<!tpu.dma_semaphore, #tpu.memory_space<semaphore_mem>>
      %dma_start3A = arith.constant 0 : i32
      %dma_start3A_39 = tpu.memref_slice %arg4[%select_n3A, %select_n3A_30, %dma_start3A] : memref<2x32x12288xf32, #tpu.memory_space<hbm>> -> memref<1x1x12288xf32, #tpu.memory_space<hbm>>
      %dma_start3A_40 = tpu.memref_squeeze %dma_start3A_39 : memref<1x1x12288xf32, #tpu.memory_space<hbm>> -> memref<12288xf32, #tpu.memory_space<hbm>>
      %dma_start3A_41 = arith.constant 0 : i32
      %dma_start3A_42 = tpu.memref_slice %arg4[%select_n3A, %select_n3A_30, %dma_start3A_41] : memref<2x32x12288xf32, #tpu.memory_space<hbm>> -> memref<1x1x12288xf32, #tpu.memory_space<hbm>>
      %dma_start3A_43 = tpu.memref_squeeze %dma_start3A_42 : memref<1x1x12288xf32, #tpu.memory_space<hbm>> -> memref<12288xf32, #tpu.memory_space<hbm>>
      tpu.enqueue_dma source(%arg7 : memref<12288xf32, #tpu.memory_space<vmem>>) target(%dma_start3A_43 : memref<12288xf32, #tpu.memory_space<hbm>>) target_semaphore(%run_scoped3A : memref<!tpu.dma_semaphore, #tpu.memory_space<semaphore_mem>>)
      %dma_wait3A = arith.constant 0 : i32
      %dma_wait3A_44 = tpu.memref_slice %arg4[%select_n3A, %select_n3A_30, %dma_wait3A] : memref<2x32x12288xf32, #tpu.memory_space<hbm>> -> memref<1x1x12288xf32, #tpu.memory_space<hbm>>
      %dma_wait3A_45 = tpu.memref_squeeze %dma_wait3A_44 : memref<1x1x12288xf32, #tpu.memory_space<hbm>> -> memref<12288xf32, #tpu.memory_space<hbm>>
      %dma_wait3A_46 = arith.constant 0 : i32
      %dma_wait3A_47 = tpu.memref_slice %arg4[%select_n3A, %select_n3A_30, %dma_wait3A_46] : memref<2x32x12288xf32, #tpu.memory_space<hbm>> -> memref<1x1x12288xf32, #tpu.memory_space<hbm>>
      %dma_wait3A_48 = tpu.memref_squeeze %dma_wait3A_47 : memref<1x1x12288xf32, #tpu.memory_space<hbm>> -> memref<12288xf32, #tpu.memory_space<hbm>>
      tpu.wait_dma2 semaphore(%run_scoped3A : memref<!tpu.dma_semaphore, #tpu.memory_space<semaphore_mem>>) src(%arg7 : memref<12288xf32, #tpu.memory_space<vmem>>) dst(%dma_wait3A_48 : memref<12288xf32, #tpu.memory_space<hbm>>)
      tpu.yield
    }) : () -> ()
    %lt3A_36 = arith.constant 28 : i32
    %lt3A_37 = arith.cmpi slt, %add3A, %lt3A_36 : i32
    %convert_element_type3A = arith.extui %lt3A_37 : i1 to i32
    %cond3A = arith.constant 0 : i32
    %cond3A_38 = arith.cmpi ne, %convert_element_type3A, %cond3A : i32
    scf.if %cond3A_38 {
      %add3A_39 = arith.constant 32 : i32
      %add3A_40 = arith.addi %add3A, %add3A_39 : i32
      %jit3A_41 = arith.constant 30 : i32
      %div3A_42 = arith.divsi %add3A_40, %jit3A_41 : i32
      %sign3A_43 = arith.constant 0 : i32
      %sign3A_44 = arith.cmpi sgt, %add3A_40, %sign3A_43 : i32
      %sign3A_45 = arith.extui %sign3A_44 : i1 to i32
      %sign3A_46 = arith.constant 0 : i32
      %sign3A_47 = arith.cmpi slt, %add3A_40, %sign3A_46 : i32
      %sign3A_48 = arith.extui %sign3A_47 : i1 to i32
      %sign3A_49 = arith.subi %sign3A_45, %sign3A_48 : i32
      %sign3A_50 = arith.constant 0 : i32
      %sign3A_51 = arith.cmpi sgt, %jit3A_41, %sign3A_50 : i32
      %sign3A_52 = arith.extui %sign3A_51 : i1 to i32
      %sign3A_53 = arith.constant 0 : i32
      %sign3A_54 = arith.cmpi slt, %jit3A_41, %sign3A_53 : i32
      %sign3A_55 = arith.extui %sign3A_54 : i1 to i32
      %sign3A_56 = arith.subi %sign3A_52, %sign3A_55 : i32
      %ne3A_57 = arith.cmpi ne, %sign3A_49, %sign3A_56 : i32
      %rem3A_58 = arith.remsi %add3A_40, %jit3A_41 : i32
      %ne3A_59 = arith.constant 0 : i32
      %ne3A_60 = arith.cmpi ne, %rem3A_58, %ne3A_59 : i32
      %and3A_61 = arith.andi %ne3A_57, %ne3A_60 : i1
      %sub3A_62 = arith.constant 1 : i32
      %sub3A_63 = arith.subi %div3A_42, %sub3A_62 : i32
      %select_n3A_64 = arith.select %and3A_61, %sub3A_63, %div3A_42 : i32
      %jit3A_65 = arith.constant 30 : i32
      %eq3A_66 = arith.constant 0 : i32
      %eq3A_67 = arith.cmpi eq, %jit3A_65, %eq3A_66 : i32
      %jit3A_68 = arith.constant 1 : i32
      %select_n3A_69 = arith.select %eq3A_67, %jit3A_68, %jit3A_65 : i32
      %rem3A_70 = arith.remsi %add3A_40, %select_n3A_69 : i32
      %ne3A_71 = arith.constant 0 : i32
      %ne3A_72 = arith.cmpi ne, %rem3A_70, %ne3A_71 : i32
      %lt3A_73 = arith.constant 0 : i32
      %lt3A_74 = arith.cmpi slt, %rem3A_70, %lt3A_73 : i32
      %lt3A_75 = arith.constant 0 : i32
      %lt3A_76 = arith.cmpi slt, %select_n3A_69, %lt3A_75 : i32
      %ne3A_77 = arith.xori %lt3A_74, %lt3A_76 : i1
      %and3A_78 = arith.andi %ne3A_77, %ne3A_72 : i1
      %add3A_79 = arith.addi %rem3A_70, %select_n3A_69 : i32
      %select_n3A_80 = arith.select %and3A_78, %add3A_79, %rem3A_70 : i32
      "tpu.region"() ({
        %run_scoped3A = tpu.sem_alloc : memref<!tpu.dma_semaphore, #tpu.memory_space<semaphore_mem>>
        %dma_start3A = arith.constant 0 : i32
        %dma_start3A_87 = tpu.memref_slice %arg2[%select_n3A_64, %select_n3A_80, %dma_start3A] : memref<2x30x50000xf32, #tpu.memory_space<hbm>> -> memref<1x1x50000xf32, #tpu.memory_space<hbm>>
        %dma_start3A_88 = tpu.memref_squeeze %dma_start3A_87 : memref<1x1x50000xf32, #tpu.memory_space<hbm>> -> memref<50000xf32, #tpu.memory_space<hbm>>
        %dma_start3A_89 = arith.constant 0 : i32
        %dma_start3A_90 = tpu.memref_slice %arg2[%select_n3A_64, %select_n3A_80, %dma_start3A_89] : memref<2x30x50000xf32, #tpu.memory_space<hbm>> -> memref<1x1x50000xf32, #tpu.memory_space<hbm>>
        %dma_start3A_91 = tpu.memref_squeeze %dma_start3A_90 : memref<1x1x50000xf32, #tpu.memory_space<hbm>> -> memref<50000xf32, #tpu.memory_space<hbm>>
        tpu.enqueue_dma source(%dma_start3A_91 : memref<50000xf32, #tpu.memory_space<hbm>>) target(%arg5 : memref<50000xf32, #tpu.memory_space<vmem>>) target_semaphore(%run_scoped3A : memref<!tpu.dma_semaphore, #tpu.memory_space<semaphore_mem>>)
        %dma_wait3A = arith.constant 0 : i32
        %dma_wait3A_92 = tpu.memref_slice %arg2[%select_n3A_64, %select_n3A_80, %dma_wait3A] : memref<2x30x50000xf32, #tpu.memory_space<hbm>> -> memref<1x1x50000xf32, #tpu.memory_space<hbm>>
        %dma_wait3A_93 = tpu.memref_squeeze %dma_wait3A_92 : memref<1x1x50000xf32, #tpu.memory_space<hbm>> -> memref<50000xf32, #tpu.memory_space<hbm>>
        %dma_wait3A_94 = arith.constant 0 : i32
        %dma_wait3A_95 = tpu.memref_slice %arg2[%select_n3A_64, %select_n3A_80, %dma_wait3A_94] : memref<2x30x50000xf32, #tpu.memory_space<hbm>> -> memref<1x1x50000xf32, #tpu.memory_space<hbm>>
        %dma_wait3A_96 = tpu.memref_squeeze %dma_wait3A_95 : memref<1x1x50000xf32, #tpu.memory_space<hbm>> -> memref<50000xf32, #tpu.memory_space<hbm>>
        tpu.wait_dma2 semaphore(%run_scoped3A : memref<!tpu.dma_semaphore, #tpu.memory_space<semaphore_mem>>) src(%dma_wait3A_96 : memref<50000xf32, #tpu.memory_space<hbm>>) dst(%arg5 : memref<50000xf32, #tpu.memory_space<vmem>>)
        tpu.yield
      }) : () -> ()
      "tpu.region"() ({
        %run_scoped3A = tpu.sem_alloc : memref<!tpu.dma_semaphore, #tpu.memory_space<semaphore_mem>>
        %dma_start3A = arith.constant 0 : i32
        %dma_start3A_87 = tpu.memref_slice %arg3[%select_n3A_64, %dma_start3A] : memref<2x12288xi32, #tpu.memory_space<hbm>> -> memref<1x12288xi32, #tpu.memory_space<hbm>>
        %dma_start3A_88 = tpu.memref_squeeze %dma_start3A_87 : memref<1x12288xi32, #tpu.memory_space<hbm>> -> memref<12288xi32, #tpu.memory_space<hbm>>
        %dma_start3A_89 = arith.constant 0 : i32
        %dma_start3A_90 = tpu.memref_slice %arg3[%select_n3A_64, %dma_start3A_89] : memref<2x12288xi32, #tpu.memory_space<hbm>> -> memref<1x12288xi32, #tpu.memory_space<hbm>>
        %dma_start3A_91 = tpu.memref_squeeze %dma_start3A_90 : memref<1x12288xi32, #tpu.memory_space<hbm>> -> memref<12288xi32, #tpu.memory_space<hbm>>
        tpu.enqueue_dma source(%dma_start3A_91 : memref<12288xi32, #tpu.memory_space<hbm>>) target(%arg6 : memref<12288xi32, #tpu.memory_space<vmem>>) target_semaphore(%run_scoped3A : memref<!tpu.dma_semaphore, #tpu.memory_space<semaphore_mem>>)
        %dma_wait3A = arith.constant 0 : i32
        %dma_wait3A_92 = tpu.memref_slice %arg3[%select_n3A_64, %dma_wait3A] : memref<2x12288xi32, #tpu.memory_space<hbm>> -> memref<1x12288xi32, #tpu.memory_space<hbm>>
        %dma_wait3A_93 = tpu.memref_squeeze %dma_wait3A_92 : memref<1x12288xi32, #tpu.memory_space<hbm>> -> memref<12288xi32, #tpu.memory_space<hbm>>
        %dma_wait3A_94 = arith.constant 0 : i32
        %dma_wait3A_95 = tpu.memref_slice %arg3[%select_n3A_64, %dma_wait3A_94] : memref<2x12288xi32, #tpu.memory_space<hbm>> -> memref<1x12288xi32, #tpu.memory_space<hbm>>
        %dma_wait3A_96 = tpu.memref_squeeze %dma_wait3A_95 : memref<1x12288xi32, #tpu.memory_space<hbm>> -> memref<12288xi32, #tpu.memory_space<hbm>>
        tpu.wait_dma2 semaphore(%run_scoped3A : memref<!tpu.dma_semaphore, #tpu.memory_space<semaphore_mem>>) src(%dma_wait3A_96 : memref<12288xi32, #tpu.memory_space<hbm>>) dst(%arg6 : memref<12288xi32, #tpu.memory_space<vmem>>)
        tpu.yield
      }) : () -> ()
      %scan3A_81 = arith.constant 0 : i32
      %scan3A_82 = arith.constant 0 : i32
      %scan3A_83 = arith.constant 192 : i32
      %scan3A_84 = arith.addi %scan3A_82, %scan3A_83 : i32
      %scan3A_85 = arith.constant 1 : i32
      scf.for %scan3A_87 = %scan3A_82 to %scan3A_84 step %scan3A_85  : i32 {
        %mul3A_88 = arith.constant 64 : i32
        %mul3A_89 = arith.muli %scan3A_87, %mul3A_88 : i32
        %add3A_90 = arith.constant 0 : i32
        %add3A_91 = arith.addi %mul3A_89, %add3A_90 : i32
        %get3A = arith.index_cast %add3A_91 : i32 to index
        %get3A_92 = tpu.vector_load %arg6[%get3A] {strides = array<i32>} : memref<12288xi32, #tpu.memory_space<vmem>>, vector<16xi32>,
        %add3A_93 = arith.constant 16 : i32
        %add3A_94 = arith.addi %mul3A_89, %add3A_93 : i32
        %get3A_95 = arith.index_cast %add3A_94 : i32 to index
        %get3A_96 = tpu.vector_load %arg6[%get3A_95] {strides = array<i32>} : memref<12288xi32, #tpu.memory_space<vmem>>, vector<16xi32>,
        %add3A_97 = arith.constant 32 : i32
        %add3A_98 = arith.addi %mul3A_89, %add3A_97 : i32
        %get3A_99 = arith.index_cast %add3A_98 : i32 to index
        %get3A_100 = tpu.vector_load %arg6[%get3A_99] {strides = array<i32>} : memref<12288xi32, #tpu.memory_space<vmem>>, vector<16xi32>,
        %add3A_101 = arith.constant 48 : i32
        %add3A_102 = arith.addi %mul3A_89, %add3A_101 : i32
        %get3A_103 = arith.index_cast %add3A_102 : i32 to index
        %get3A_104 = tpu.vector_load %arg6[%get3A_103] {strides = array<i32>} : memref<12288xi32, #tpu.memory_space<vmem>>, vector<16xi32>,
        %gather3A = tpu.vector_load_idx %arg5[%get3A_92] : memref<50000xf32, #tpu.memory_space<vmem>>[vector<16xi32>], vector<16xf32>,
        %gather3A_105 = tpu.vector_load_idx %arg5[%get3A_96] : memref<50000xf32, #tpu.memory_space<vmem>>[vector<16xi32>], vector<16xf32>,
        %gather3A_106 = tpu.vector_load_idx %arg5[%get3A_100] : memref<50000xf32, #tpu.memory_space<vmem>>[vector<16xi32>], vector<16xf32>,
        %gather3A_107 = tpu.vector_load_idx %arg5[%get3A_104] : memref<50000xf32, #tpu.memory_space<vmem>>[vector<16xi32>], vector<16xf32>,
        %add3A_108 = arith.constant 0 : i32
        %add3A_109 = arith.addi %mul3A_89, %add3A_108 : i32
        %swap3A = arith.index_cast %add3A_109 : i32 to index
        %swap3A_110 = tpu.vector_load %arg7[%swap3A] {strides = array<i32>} : memref<12288xf32, #tpu.memory_space<vmem>>, vector<16xf32>,
        tpu.vector_store %arg7[%swap3A], %gather3A {strides = array<i32>} : memref<12288xf32, #tpu.memory_space<vmem>>, vector<16xf32>,
        %add3A_111 = arith.constant 16 : i32
        %add3A_112 = arith.addi %mul3A_89, %add3A_111 : i32
        %swap3A_113 = arith.index_cast %add3A_112 : i32 to index
        %swap3A_114 = tpu.vector_load %arg7[%swap3A_113] {strides = array<i32>} : memref<12288xf32, #tpu.memory_space<vmem>>, vector<16xf32>,
        tpu.vector_store %arg7[%swap3A_113], %gather3A_105 {strides = array<i32>} : memref<12288xf32, #tpu.memory_space<vmem>>, vector<16xf32>,
        %add3A_115 = arith.constant 32 : i32
        %add3A_116 = arith.addi %mul3A_89, %add3A_115 : i32
        %swap3A_117 = arith.index_cast %add3A_116 : i32 to index
        %swap3A_118 = tpu.vector_load %arg7[%swap3A_117] {strides = array<i32>} : memref<12288xf32, #tpu.memory_space<vmem>>, vector<16xf32>,
        tpu.vector_store %arg7[%swap3A_117], %gather3A_106 {strides = array<i32>} : memref<12288xf32, #tpu.memory_space<vmem>>, vector<16xf32>,
        %add3A_119 = arith.constant 48 : i32
        %add3A_120 = arith.addi %mul3A_89, %add3A_119 : i32
        %swap3A_121 = arith.index_cast %add3A_120 : i32 to index
        %swap3A_122 = tpu.vector_load %arg7[%swap3A_121] {strides = array<i32>} : memref<12288xf32, #tpu.memory_space<vmem>>, vector<16xf32>,
        tpu.vector_store %arg7[%swap3A_121], %gather3A_107 {strides = array<i32>} : memref<12288xf32, #tpu.memory_space<vmem>>, vector<16xf32>,
      }
      %scan3A_86 = arith.constant 192 : i32
      "tpu.region"() ({
        %run_scoped3A = tpu.sem_alloc : memref<!tpu.dma_semaphore, #tpu.memory_space<semaphore_mem>>
        %dma_start3A = arith.constant 0 : i32
        %dma_start3A_87 = tpu.memref_slice %arg4[%select_n3A_64, %select_n3A_80, %dma_start3A] : memref<2x32x12288xf32, #tpu.memory_space<hbm>> -> memref<1x1x12288xf32, #tpu.memory_space<hbm>>
        %dma_start3A_88 = tpu.memref_squeeze %dma_start3A_87 : memref<1x1x12288xf32, #tpu.memory_space<hbm>> -> memref<12288xf32, #tpu.memory_space<hbm>>
        %dma_start3A_89 = arith.constant 0 : i32
        %dma_start3A_90 = tpu.memref_slice %arg4[%select_n3A_64, %select_n3A_80, %dma_start3A_89] : memref<2x32x12288xf32, #tpu.memory_space<hbm>> -> memref<1x1x12288xf32, #tpu.memory_space<hbm>>
        %dma_start3A_91 = tpu.memref_squeeze %dma_start3A_90 : memref<1x1x12288xf32, #tpu.memory_space<hbm>> -> memref<12288xf32, #tpu.memory_space<hbm>>
        tpu.enqueue_dma source(%arg7 : memref<12288xf32, #tpu.memory_space<vmem>>) target(%dma_start3A_91 : memref<12288xf32, #tpu.memory_space<hbm>>) target_semaphore(%run_scoped3A : memref<!tpu.dma_semaphore, #tpu.memory_space<semaphore_mem>>)
        %dma_wait3A = arith.constant 0 : i32
        %dma_wait3A_92 = tpu.memref_slice %arg4[%select_n3A_64, %select_n3A_80, %dma_wait3A] : memref<2x32x12288xf32, #tpu.memory_space<hbm>> -> memref<1x1x12288xf32, #tpu.memory_space<hbm>>
        %dma_wait3A_93 = tpu.memref_squeeze %dma_wait3A_92 : memref<1x1x12288xf32, #tpu.memory_space<hbm>> -> memref<12288xf32, #tpu.memory_space<hbm>>
        %dma_wait3A_94 = arith.constant 0 : i32
        %dma_wait3A_95 = tpu.memref_slice %arg4[%select_n3A_64, %select_n3A_80, %dma_wait3A_94] : memref<2x32x12288xf32, #tpu.memory_space<hbm>> -> memref<1x1x12288xf32, #tpu.memory_space<hbm>>
        %dma_wait3A_96 = tpu.memref_squeeze %dma_wait3A_95 : memref<1x1x12288xf32, #tpu.memory_space<hbm>> -> memref<12288xf32, #tpu.memory_space<hbm>>
        tpu.wait_dma2 semaphore(%run_scoped3A : memref<!tpu.dma_semaphore, #tpu.memory_space<semaphore_mem>>) src(%arg7 : memref<12288xf32, #tpu.memory_space<vmem>>) dst(%dma_wait3A_96 : memref<12288xf32, #tpu.memory_space<hbm>>)
        tpu.yield
      }) : () -> ()
    } else {
    }
    return
  }
}

#map = affine_map<(d0, d1) -> (0, 0, 0)>
#map1 = affine_map<(d0, d1) -> (0, 0)>
module attributes {stable_mosaic.version = 14 : i64} {
  func.func @_pred_gather(%arg0: i32, %arg1: i32, %arg2: memref<30x2x50000xf32, #tpu.memory_space<hbm>>, %arg3: memref<2x12288xi32, #tpu.memory_space<hbm>>, %arg4: memref<2x32x12288xf32, #tpu.memory_space<hbm>>, %arg5: memref<50000xf32, #tpu.memory_space<vmem>>, %arg6: memref<12288xi32, #tpu.memory_space<vmem>>, %arg7: memref<12288xf32, #tpu.memory_space<vmem>>) attributes {dimension_semantics = [#tpu.dimension_semantics<core_parallel>, #tpu.dimension_semantics<subcore_parallel>], iteration_bounds = array<i64: 2, 16>, scalar_prefetch = 0 : i64, scratch_operands = 3 : i64, tpu.core_type = #tpu.core_type<sc_vector_subcore>, window_params = [{transform_indices = #map}, {transform_indices = #map1}, {transform_indices = #map}]} {
    %mul3A = arith.constant 2 : i32
    %mul3A_0 = arith.muli %arg1, %mul3A : i32
    %add3A = arith.addi %mul3A_0, %arg0 : i32
    %jit3A = arith.constant 30 : i32
    %div3A = arith.divsi %add3A, %jit3A : i32
    %sign3A = arith.constant 0 : i32
    %sign3A_1 = arith.cmpi sgt, %add3A, %sign3A : i32
    %sign3A_2 = arith.extui %sign3A_1 : i1 to i32
    %sign3A_3 = arith.constant 0 : i32
    %sign3A_4 = arith.cmpi slt, %add3A, %sign3A_3 : i32
    %sign3A_5 = arith.extui %sign3A_4 : i1 to i32
    %sign3A_6 = arith.subi %sign3A_2, %sign3A_5 : i32
    %sign3A_7 = arith.constant 0 : i32
    %sign3A_8 = arith.cmpi sgt, %jit3A, %sign3A_7 : i32
    %sign3A_9 = arith.extui %sign3A_8 : i1 to i32
    %sign3A_10 = arith.constant 0 : i32
    %sign3A_11 = arith.cmpi slt, %jit3A, %sign3A_10 : i32
    %sign3A_12 = arith.extui %sign3A_11 : i1 to i32
    %sign3A_13 = arith.subi %sign3A_9, %sign3A_12 : i32
    %ne3A = arith.cmpi ne, %sign3A_6, %sign3A_13 : i32
    %rem3A = arith.remsi %add3A, %jit3A : i32
    %ne3A_14 = arith.constant 0 : i32
    %ne3A_15 = arith.cmpi ne, %rem3A, %ne3A_14 : i32
    %and3A = arith.andi %ne3A, %ne3A_15 : i1
    %sub3A = arith.constant 1 : i32
    %sub3A_16 = arith.subi %div3A, %sub3A : i32
    %select_n3A = arith.select %and3A, %sub3A_16, %div3A : i32
    %jit3A_17 = arith.constant 30 : i32
    %eq3A = arith.constant 0 : i32
    %eq3A_18 = arith.cmpi eq, %jit3A_17, %eq3A : i32
    %jit3A_19 = arith.constant 1 : i32
    %select_n3A_20 = arith.select %eq3A_18, %jit3A_19, %jit3A_17 : i32
    %rem3A_21 = arith.remsi %add3A, %select_n3A_20 : i32
    %ne3A_22 = arith.constant 0 : i32
    %ne3A_23 = arith.cmpi ne, %rem3A_21, %ne3A_22 : i32
    %lt3A = arith.constant 0 : i32
    %lt3A_24 = arith.cmpi slt, %rem3A_21, %lt3A : i32
    %lt3A_25 = arith.constant 0 : i32
    %lt3A_26 = arith.cmpi slt, %select_n3A_20, %lt3A_25 : i32
    %ne3A_27 = arith.xori %lt3A_24, %lt3A_26 : i1
    %and3A_28 = arith.andi %ne3A_27, %ne3A_23 : i1
    %add3A_29 = arith.addi %rem3A_21, %select_n3A_20 : i32
    %select_n3A_30 = arith.select %and3A_28, %add3A_29, %rem3A_21 : i32
    "tpu.region"() ({
      %run_scoped3A = tpu.sem_alloc : memref<!tpu.dma_semaphore, #tpu.memory_space<semaphore_mem>>
      %dma_start3A = arith.constant 0 : i32
      %dma_start3A_39 = tpu.memref_slice %arg2[%select_n3A_30, %select_n3A, %dma_start3A] : memref<30x2x50000xf32, #tpu.memory_space<hbm>> -> memref<1x1x50000xf32, #tpu.memory_space<hbm>>
      %dma_start3A_40 = tpu.memref_squeeze %dma_start3A_39 : memref<1x1x50000xf32, #tpu.memory_space<hbm>> -> memref<50000xf32, #tpu.memory_space<hbm>>
      %dma_start3A_41 = arith.constant 0 : i32
      %dma_start3A_42 = tpu.memref_slice %arg2[%select_n3A_30, %select_n3A, %dma_start3A_41] : memref<30x2x50000xf32, #tpu.memory_space<hbm>> -> memref<1x1x50000xf32, #tpu.memory_space<hbm>>
      %dma_start3A_43 = tpu.memref_squeeze %dma_start3A_42 : memref<1x1x50000xf32, #tpu.memory_space<hbm>> -> memref<50000xf32, #tpu.memory_space<hbm>>
      tpu.enqueue_dma source(%dma_start3A_43 : memref<50000xf32, #tpu.memory_space<hbm>>) target(%arg5 : memref<50000xf32, #tpu.memory_space<vmem>>) target_semaphore(%run_scoped3A : memref<!tpu.dma_semaphore, #tpu.memory_space<semaphore_mem>>)
      %dma_wait3A = arith.constant 0 : i32
      %dma_wait3A_44 = tpu.memref_slice %arg2[%select_n3A_30, %select_n3A, %dma_wait3A] : memref<30x2x50000xf32, #tpu.memory_space<hbm>> -> memref<1x1x50000xf32, #tpu.memory_space<hbm>>
      %dma_wait3A_45 = tpu.memref_squeeze %dma_wait3A_44 : memref<1x1x50000xf32, #tpu.memory_space<hbm>> -> memref<50000xf32, #tpu.memory_space<hbm>>
      %dma_wait3A_46 = arith.constant 0 : i32
      %dma_wait3A_47 = tpu.memref_slice %arg2[%select_n3A_30, %select_n3A, %dma_wait3A_46] : memref<30x2x50000xf32, #tpu.memory_space<hbm>> -> memref<1x1x50000xf32, #tpu.memory_space<hbm>>
      %dma_wait3A_48 = tpu.memref_squeeze %dma_wait3A_47 : memref<1x1x50000xf32, #tpu.memory_space<hbm>> -> memref<50000xf32, #tpu.memory_space<hbm>>
      tpu.wait_dma2 semaphore(%run_scoped3A : memref<!tpu.dma_semaphore, #tpu.memory_space<semaphore_mem>>) src(%dma_wait3A_48 : memref<50000xf32, #tpu.memory_space<hbm>>) dst(%arg5 : memref<50000xf32, #tpu.memory_space<vmem>>)
      tpu.yield
    }) : () -> ()
    "tpu.region"() ({
      %run_scoped3A = tpu.sem_alloc : memref<!tpu.dma_semaphore, #tpu.memory_space<semaphore_mem>>
      %dma_start3A = arith.constant 0 : i32
      %dma_start3A_39 = tpu.memref_slice %arg3[%select_n3A, %dma_start3A] : memref<2x12288xi32, #tpu.memory_space<hbm>> -> memref<1x12288xi32, #tpu.memory_space<hbm>>
      %dma_start3A_40 = tpu.memref_squeeze %dma_start3A_39 : memref<1x12288xi32, #tpu.memory_space<hbm>> -> memref<12288xi32, #tpu.memory_space<hbm>>
      %dma_start3A_41 = arith.constant 0 : i32
      %dma_start3A_42 = tpu.memref_slice %arg3[%select_n3A, %dma_start3A_41] : memref<2x12288xi32, #tpu.memory_space<hbm>> -> memref<1x12288xi32, #tpu.memory_space<hbm>>
      %dma_start3A_43 = tpu.memref_squeeze %dma_start3A_42 : memref<1x12288xi32, #tpu.memory_space<hbm>> -> memref<12288xi32, #tpu.memory_space<hbm>>
      tpu.enqueue_dma source(%dma_start3A_43 : memref<12288xi32, #tpu.memory_space<hbm>>) target(%arg6 : memref<12288xi32, #tpu.memory_space<vmem>>) target_semaphore(%run_scoped3A : memref<!tpu.dma_semaphore, #tpu.memory_space<semaphore_mem>>)
      %dma_wait3A = arith.constant 0 : i32
      %dma_wait3A_44 = tpu.memref_slice %arg3[%select_n3A, %dma_wait3A] : memref<2x12288xi32, #tpu.memory_space<hbm>> -> memref<1x12288xi32, #tpu.memory_space<hbm>>
      %dma_wait3A_45 = tpu.memref_squeeze %dma_wait3A_44 : memref<1x12288xi32, #tpu.memory_space<hbm>> -> memref<12288xi32, #tpu.memory_space<hbm>>
      %dma_wait3A_46 = arith.constant 0 : i32
      %dma_wait3A_47 = tpu.memref_slice %arg3[%select_n3A, %dma_wait3A_46] : memref<2x12288xi32, #tpu.memory_space<hbm>> -> memref<1x12288xi32, #tpu.memory_space<hbm>>
      %dma_wait3A_48 = tpu.memref_squeeze %dma_wait3A_47 : memref<1x12288xi32, #tpu.memory_space<hbm>> -> memref<12288xi32, #tpu.memory_space<hbm>>
      tpu.wait_dma2 semaphore(%run_scoped3A : memref<!tpu.dma_semaphore, #tpu.memory_space<semaphore_mem>>) src(%dma_wait3A_48 : memref<12288xi32, #tpu.memory_space<hbm>>) dst(%arg6 : memref<12288xi32, #tpu.memory_space<vmem>>)
      tpu.yield
    }) : () -> ()
    %scan3A = arith.constant 0 : i32
    %scan3A_31 = arith.constant 0 : i32
    %scan3A_32 = arith.constant 192 : i32
    %scan3A_33 = arith.addi %scan3A_31, %scan3A_32 : i32
    %scan3A_34 = arith.constant 1 : i32
    scf.for %scan3A_39 = %scan3A_31 to %scan3A_33 step %scan3A_34  : i32 {
      %mul3A_40 = arith.constant 64 : i32
      %mul3A_41 = arith.muli %scan3A_39, %mul3A_40 : i32
      %add3A_42 = arith.constant 0 : i32
      %add3A_43 = arith.addi %mul3A_41, %add3A_42 : i32
      %get3A = arith.index_cast %add3A_43 : i32 to index
      %get3A_44 = tpu.vector_load %arg6[%get3A] {strides = array<i32>} : memref<12288xi32, #tpu.memory_space<vmem>>, vector<16xi32>,
      %add3A_45 = arith.constant 16 : i32
      %add3A_46 = arith.addi %mul3A_41, %add3A_45 : i32
      %get3A_47 = arith.index_cast %add3A_46 : i32 to index
      %get3A_48 = tpu.vector_load %arg6[%get3A_47] {strides = array<i32>} : memref<12288xi32, #tpu.memory_space<vmem>>, vector<16xi32>,
      %add3A_49 = arith.constant 32 : i32
      %add3A_50 = arith.addi %mul3A_41, %add3A_49 : i32
      %get3A_51 = arith.index_cast %add3A_50 : i32 to index
      %get3A_52 = tpu.vector_load %arg6[%get3A_51] {strides = array<i32>} : memref<12288xi32, #tpu.memory_space<vmem>>, vector<16xi32>,
      %add3A_53 = arith.constant 48 : i32
      %add3A_54 = arith.addi %mul3A_41, %add3A_53 : i32
      %get3A_55 = arith.index_cast %add3A_54 : i32 to index
      %get3A_56 = tpu.vector_load %arg6[%get3A_55] {strides = array<i32>} : memref<12288xi32, #tpu.memory_space<vmem>>, vector<16xi32>,
      %gather3A = tpu.vector_load_idx %arg5[%get3A_44] : memref<50000xf32, #tpu.memory_space<vmem>>[vector<16xi32>], vector<16xf32>,
      %gather3A_57 = tpu.vector_load_idx %arg5[%get3A_48] : memref<50000xf32, #tpu.memory_space<vmem>>[vector<16xi32>], vector<16xf32>,
      %gather3A_58 = tpu.vector_load_idx %arg5[%get3A_52] : memref<50000xf32, #tpu.memory_space<vmem>>[vector<16xi32>], vector<16xf32>,
      %gather3A_59 = tpu.vector_load_idx %arg5[%get3A_56] : memref<50000xf32, #tpu.memory_space<vmem>>[vector<16xi32>], vector<16xf32>,
      %add3A_60 = arith.constant 0 : i32
      %add3A_61 = arith.addi %mul3A_41, %add3A_60 : i32
      %swap3A = arith.index_cast %add3A_61 : i32 to index
      %swap3A_62 = tpu.vector_load %arg7[%swap3A] {strides = array<i32>} : memref<12288xf32, #tpu.memory_space<vmem>>, vector<16xf32>,
      tpu.vector_store %arg7[%swap3A], %gather3A {strides = array<i32>} : memref<12288xf32, #tpu.memory_space<vmem>>, vector<16xf32>,
      %add3A_63 = arith.constant 16 : i32
      %add3A_64 = arith.addi %mul3A_41, %add3A_63 : i32
      %swap3A_65 = arith.index_cast %add3A_64 : i32 to index
      %swap3A_66 = tpu.vector_load %arg7[%swap3A_65] {strides = array<i32>} : memref<12288xf32, #tpu.memory_space<vmem>>, vector<16xf32>,
      tpu.vector_store %arg7[%swap3A_65], %gather3A_57 {strides = array<i32>} : memref<12288xf32, #tpu.memory_space<vmem>>, vector<16xf32>,
      %add3A_67 = arith.constant 32 : i32
      %add3A_68 = arith.addi %mul3A_41, %add3A_67 : i32
      %swap3A_69 = arith.index_cast %add3A_68 : i32 to index
      %swap3A_70 = tpu.vector_load %arg7[%swap3A_69] {strides = array<i32>} : memref<12288xf32, #tpu.memory_space<vmem>>, vector<16xf32>,
      tpu.vector_store %arg7[%swap3A_69], %gather3A_58 {strides = array<i32>} : memref<12288xf32, #tpu.memory_space<vmem>>, vector<16xf32>,
      %add3A_71 = arith.constant 48 : i32
      %add3A_72 = arith.addi %mul3A_41, %add3A_71 : i32
      %swap3A_73 = arith.index_cast %add3A_72 : i32 to index
      %swap3A_74 = tpu.vector_load %arg7[%swap3A_73] {strides = array<i32>} : memref<12288xf32, #tpu.memory_space<vmem>>, vector<16xf32>,
      tpu.vector_store %arg7[%swap3A_73], %gather3A_59 {strides = array<i32>} : memref<12288xf32, #tpu.memory_space<vmem>>, vector<16xf32>,
    }
    %scan3A_35 = arith.constant 192 : i32
    "tpu.region"() ({
      %run_scoped3A = tpu.sem_alloc : memref<!tpu.dma_semaphore, #tpu.memory_space<semaphore_mem>>
      %dma_start3A = arith.constant 0 : i32
      %dma_start3A_39 = tpu.memref_slice %arg4[%select_n3A, %select_n3A_30, %dma_start3A] : memref<2x32x12288xf32, #tpu.memory_space<hbm>> -> memref<1x1x12288xf32, #tpu.memory_space<hbm>>
      %dma_start3A_40 = tpu.memref_squeeze %dma_start3A_39 : memref<1x1x12288xf32, #tpu.memory_space<hbm>> -> memref<12288xf32, #tpu.memory_space<hbm>>
      %dma_start3A_41 = arith.constant 0 : i32
      %dma_start3A_42 = tpu.memref_slice %arg4[%select_n3A, %select_n3A_30, %dma_start3A_41] : memref<2x32x12288xf32, #tpu.memory_space<hbm>> -> memref<1x1x12288xf32, #tpu.memory_space<hbm>>
      %dma_start3A_43 = tpu.memref_squeeze %dma_start3A_42 : memref<1x1x12288xf32, #tpu.memory_space<hbm>> -> memref<12288xf32, #tpu.memory_space<hbm>>
      tpu.enqueue_dma source(%arg7 : memref<12288xf32, #tpu.memory_space<vmem>>) target(%dma_start3A_43 : memref<12288xf32, #tpu.memory_space<hbm>>) target_semaphore(%run_scoped3A : memref<!tpu.dma_semaphore, #tpu.memory_space<semaphore_mem>>)
      %dma_wait3A = arith.constant 0 : i32
      %dma_wait3A_44 = tpu.memref_slice %arg4[%select_n3A, %select_n3A_30, %dma_wait3A] : memref<2x32x12288xf32, #tpu.memory_space<hbm>> -> memref<1x1x12288xf32, #tpu.memory_space<hbm>>
      %dma_wait3A_45 = tpu.memref_squeeze %dma_wait3A_44 : memref<1x1x12288xf32, #tpu.memory_space<hbm>> -> memref<12288xf32, #tpu.memory_space<hbm>>
      %dma_wait3A_46 = arith.constant 0 : i32
      %dma_wait3A_47 = tpu.memref_slice %arg4[%select_n3A, %select_n3A_30, %dma_wait3A_46] : memref<2x32x12288xf32, #tpu.memory_space<hbm>> -> memref<1x1x12288xf32, #tpu.memory_space<hbm>>
      %dma_wait3A_48 = tpu.memref_squeeze %dma_wait3A_47 : memref<1x1x12288xf32, #tpu.memory_space<hbm>> -> memref<12288xf32, #tpu.memory_space<hbm>>
      tpu.wait_dma2 semaphore(%run_scoped3A : memref<!tpu.dma_semaphore, #tpu.memory_space<semaphore_mem>>) src(%arg7 : memref<12288xf32, #tpu.memory_space<vmem>>) dst(%dma_wait3A_48 : memref<12288xf32, #tpu.memory_space<hbm>>)
      tpu.yield
    }) : () -> ()
    %lt3A_36 = arith.constant 28 : i32
    %lt3A_37 = arith.cmpi slt, %add3A, %lt3A_36 : i32
    %convert_element_type3A = arith.extui %lt3A_37 : i1 to i32
    %cond3A = arith.constant 0 : i32
    %cond3A_38 = arith.cmpi ne, %convert_element_type3A, %cond3A : i32
    scf.if %cond3A_38 {
      %add3A_39 = arith.constant 32 : i32
      %add3A_40 = arith.addi %add3A, %add3A_39 : i32
      %jit3A_41 = arith.constant 30 : i32
      %div3A_42 = arith.divsi %add3A_40, %jit3A_41 : i32
      %sign3A_43 = arith.constant 0 : i32
      %sign3A_44 = arith.cmpi sgt, %add3A_40, %sign3A_43 : i32
      %sign3A_45 = arith.extui %sign3A_44 : i1 to i32
      %sign3A_46 = arith.constant 0 : i32
      %sign3A_47 = arith.cmpi slt, %add3A_40, %sign3A_46 : i32
      %sign3A_48 = arith.extui %sign3A_47 : i1 to i32
      %sign3A_49 = arith.subi %sign3A_45, %sign3A_48 : i32
      %sign3A_50 = arith.constant 0 : i32
      %sign3A_51 = arith.cmpi sgt, %jit3A_41, %sign3A_50 : i32
      %sign3A_52 = arith.extui %sign3A_51 : i1 to i32
      %sign3A_53 = arith.constant 0 : i32
      %sign3A_54 = arith.cmpi slt, %jit3A_41, %sign3A_53 : i32
      %sign3A_55 = arith.extui %sign3A_54 : i1 to i32
      %sign3A_56 = arith.subi %sign3A_52, %sign3A_55 : i32
      %ne3A_57 = arith.cmpi ne, %sign3A_49, %sign3A_56 : i32
      %rem3A_58 = arith.remsi %add3A_40, %jit3A_41 : i32
      %ne3A_59 = arith.constant 0 : i32
      %ne3A_60 = arith.cmpi ne, %rem3A_58, %ne3A_59 : i32
      %and3A_61 = arith.andi %ne3A_57, %ne3A_60 : i1
      %sub3A_62 = arith.constant 1 : i32
      %sub3A_63 = arith.subi %div3A_42, %sub3A_62 : i32
      %select_n3A_64 = arith.select %and3A_61, %sub3A_63, %div3A_42 : i32
      %jit3A_65 = arith.constant 30 : i32
      %eq3A_66 = arith.constant 0 : i32
      %eq3A_67 = arith.cmpi eq, %jit3A_65, %eq3A_66 : i32
      %jit3A_68 = arith.constant 1 : i32
      %select_n3A_69 = arith.select %eq3A_67, %jit3A_68, %jit3A_65 : i32
      %rem3A_70 = arith.remsi %add3A_40, %select_n3A_69 : i32
      %ne3A_71 = arith.constant 0 : i32
      %ne3A_72 = arith.cmpi ne, %rem3A_70, %ne3A_71 : i32
      %lt3A_73 = arith.constant 0 : i32
      %lt3A_74 = arith.cmpi slt, %rem3A_70, %lt3A_73 : i32
      %lt3A_75 = arith.constant 0 : i32
      %lt3A_76 = arith.cmpi slt, %select_n3A_69, %lt3A_75 : i32
      %ne3A_77 = arith.xori %lt3A_74, %lt3A_76 : i1
      %and3A_78 = arith.andi %ne3A_77, %ne3A_72 : i1
      %add3A_79 = arith.addi %rem3A_70, %select_n3A_69 : i32
      %select_n3A_80 = arith.select %and3A_78, %add3A_79, %rem3A_70 : i32
      "tpu.region"() ({
        %run_scoped3A = tpu.sem_alloc : memref<!tpu.dma_semaphore, #tpu.memory_space<semaphore_mem>>
        %dma_start3A = arith.constant 0 : i32
        %dma_start3A_87 = tpu.memref_slice %arg2[%select_n3A_80, %select_n3A_64, %dma_start3A] : memref<30x2x50000xf32, #tpu.memory_space<hbm>> -> memref<1x1x50000xf32, #tpu.memory_space<hbm>>
        %dma_start3A_88 = tpu.memref_squeeze %dma_start3A_87 : memref<1x1x50000xf32, #tpu.memory_space<hbm>> -> memref<50000xf32, #tpu.memory_space<hbm>>
        %dma_start3A_89 = arith.constant 0 : i32
        %dma_start3A_90 = tpu.memref_slice %arg2[%select_n3A_80, %select_n3A_64, %dma_start3A_89] : memref<30x2x50000xf32, #tpu.memory_space<hbm>> -> memref<1x1x50000xf32, #tpu.memory_space<hbm>>
        %dma_start3A_91 = tpu.memref_squeeze %dma_start3A_90 : memref<1x1x50000xf32, #tpu.memory_space<hbm>> -> memref<50000xf32, #tpu.memory_space<hbm>>
        tpu.enqueue_dma source(%dma_start3A_91 : memref<50000xf32, #tpu.memory_space<hbm>>) target(%arg5 : memref<50000xf32, #tpu.memory_space<vmem>>) target_semaphore(%run_scoped3A : memref<!tpu.dma_semaphore, #tpu.memory_space<semaphore_mem>>)
        %dma_wait3A = arith.constant 0 : i32
        %dma_wait3A_92 = tpu.memref_slice %arg2[%select_n3A_80, %select_n3A_64, %dma_wait3A] : memref<30x2x50000xf32, #tpu.memory_space<hbm>> -> memref<1x1x50000xf32, #tpu.memory_space<hbm>>
        %dma_wait3A_93 = tpu.memref_squeeze %dma_wait3A_92 : memref<1x1x50000xf32, #tpu.memory_space<hbm>> -> memref<50000xf32, #tpu.memory_space<hbm>>
        %dma_wait3A_94 = arith.constant 0 : i32
        %dma_wait3A_95 = tpu.memref_slice %arg2[%select_n3A_80, %select_n3A_64, %dma_wait3A_94] : memref<30x2x50000xf32, #tpu.memory_space<hbm>> -> memref<1x1x50000xf32, #tpu.memory_space<hbm>>
        %dma_wait3A_96 = tpu.memref_squeeze %dma_wait3A_95 : memref<1x1x50000xf32, #tpu.memory_space<hbm>> -> memref<50000xf32, #tpu.memory_space<hbm>>
        tpu.wait_dma2 semaphore(%run_scoped3A : memref<!tpu.dma_semaphore, #tpu.memory_space<semaphore_mem>>) src(%dma_wait3A_96 : memref<50000xf32, #tpu.memory_space<hbm>>) dst(%arg5 : memref<50000xf32, #tpu.memory_space<vmem>>)
        tpu.yield
      }) : () -> ()
      "tpu.region"() ({
        %run_scoped3A = tpu.sem_alloc : memref<!tpu.dma_semaphore, #tpu.memory_space<semaphore_mem>>
        %dma_start3A = arith.constant 0 : i32
        %dma_start3A_87 = tpu.memref_slice %arg3[%select_n3A_64, %dma_start3A] : memref<2x12288xi32, #tpu.memory_space<hbm>> -> memref<1x12288xi32, #tpu.memory_space<hbm>>
        %dma_start3A_88 = tpu.memref_squeeze %dma_start3A_87 : memref<1x12288xi32, #tpu.memory_space<hbm>> -> memref<12288xi32, #tpu.memory_space<hbm>>
        %dma_start3A_89 = arith.constant 0 : i32
        %dma_start3A_90 = tpu.memref_slice %arg3[%select_n3A_64, %dma_start3A_89] : memref<2x12288xi32, #tpu.memory_space<hbm>> -> memref<1x12288xi32, #tpu.memory_space<hbm>>
        %dma_start3A_91 = tpu.memref_squeeze %dma_start3A_90 : memref<1x12288xi32, #tpu.memory_space<hbm>> -> memref<12288xi32, #tpu.memory_space<hbm>>
        tpu.enqueue_dma source(%dma_start3A_91 : memref<12288xi32, #tpu.memory_space<hbm>>) target(%arg6 : memref<12288xi32, #tpu.memory_space<vmem>>) target_semaphore(%run_scoped3A : memref<!tpu.dma_semaphore, #tpu.memory_space<semaphore_mem>>)
        %dma_wait3A = arith.constant 0 : i32
        %dma_wait3A_92 = tpu.memref_slice %arg3[%select_n3A_64, %dma_wait3A] : memref<2x12288xi32, #tpu.memory_space<hbm>> -> memref<1x12288xi32, #tpu.memory_space<hbm>>
        %dma_wait3A_93 = tpu.memref_squeeze %dma_wait3A_92 : memref<1x12288xi32, #tpu.memory_space<hbm>> -> memref<12288xi32, #tpu.memory_space<hbm>>
        %dma_wait3A_94 = arith.constant 0 : i32
        %dma_wait3A_95 = tpu.memref_slice %arg3[%select_n3A_64, %dma_wait3A_94] : memref<2x12288xi32, #tpu.memory_space<hbm>> -> memref<1x12288xi32, #tpu.memory_space<hbm>>
        %dma_wait3A_96 = tpu.memref_squeeze %dma_wait3A_95 : memref<1x12288xi32, #tpu.memory_space<hbm>> -> memref<12288xi32, #tpu.memory_space<hbm>>
        tpu.wait_dma2 semaphore(%run_scoped3A : memref<!tpu.dma_semaphore, #tpu.memory_space<semaphore_mem>>) src(%dma_wait3A_96 : memref<12288xi32, #tpu.memory_space<hbm>>) dst(%arg6 : memref<12288xi32, #tpu.memory_space<vmem>>)
        tpu.yield
      }) : () -> ()
      %scan3A_81 = arith.constant 0 : i32
      %scan3A_82 = arith.constant 0 : i32
      %scan3A_83 = arith.constant 192 : i32
      %scan3A_84 = arith.addi %scan3A_82, %scan3A_83 : i32
      %scan3A_85 = arith.constant 1 : i32
      scf.for %scan3A_87 = %scan3A_82 to %scan3A_84 step %scan3A_85  : i32 {
        %mul3A_88 = arith.constant 64 : i32
        %mul3A_89 = arith.muli %scan3A_87, %mul3A_88 : i32
        %add3A_90 = arith.constant 0 : i32
        %add3A_91 = arith.addi %mul3A_89, %add3A_90 : i32
        %get3A = arith.index_cast %add3A_91 : i32 to index
        %get3A_92 = tpu.vector_load %arg6[%get3A] {strides = array<i32>} : memref<12288xi32, #tpu.memory_space<vmem>>, vector<16xi32>,
        %add3A_93 = arith.constant 16 : i32
        %add3A_94 = arith.addi %mul3A_89, %add3A_93 : i32
        %get3A_95 = arith.index_cast %add3A_94 : i32 to index
        %get3A_96 = tpu.vector_load %arg6[%get3A_95] {strides = array<i32>} : memref<12288xi32, #tpu.memory_space<vmem>>, vector<16xi32>,
        %add3A_97 = arith.constant 32 : i32
        %add3A_98 = arith.addi %mul3A_89, %add3A_97 : i32
        %get3A_99 = arith.index_cast %add3A_98 : i32 to index
        %get3A_100 = tpu.vector_load %arg6[%get3A_99] {strides = array<i32>} : memref<12288xi32, #tpu.memory_space<vmem>>, vector<16xi32>,
        %add3A_101 = arith.constant 48 : i32
        %add3A_102 = arith.addi %mul3A_89, %add3A_101 : i32
        %get3A_103 = arith.index_cast %add3A_102 : i32 to index
        %get3A_104 = tpu.vector_load %arg6[%get3A_103] {strides = array<i32>} : memref<12288xi32, #tpu.memory_space<vmem>>, vector<16xi32>,
        %gather3A = tpu.vector_load_idx %arg5[%get3A_92] : memref<50000xf32, #tpu.memory_space<vmem>>[vector<16xi32>], vector<16xf32>,
        %gather3A_105 = tpu.vector_load_idx %arg5[%get3A_96] : memref<50000xf32, #tpu.memory_space<vmem>>[vector<16xi32>], vector<16xf32>,
        %gather3A_106 = tpu.vector_load_idx %arg5[%get3A_100] : memref<50000xf32, #tpu.memory_space<vmem>>[vector<16xi32>], vector<16xf32>,
        %gather3A_107 = tpu.vector_load_idx %arg5[%get3A_104] : memref<50000xf32, #tpu.memory_space<vmem>>[vector<16xi32>], vector<16xf32>,
        %add3A_108 = arith.constant 0 : i32
        %add3A_109 = arith.addi %mul3A_89, %add3A_108 : i32
        %swap3A = arith.index_cast %add3A_109 : i32 to index
        %swap3A_110 = tpu.vector_load %arg7[%swap3A] {strides = array<i32>} : memref<12288xf32, #tpu.memory_space<vmem>>, vector<16xf32>,
        tpu.vector_store %arg7[%swap3A], %gather3A {strides = array<i32>} : memref<12288xf32, #tpu.memory_space<vmem>>, vector<16xf32>,
        %add3A_111 = arith.constant 16 : i32
        %add3A_112 = arith.addi %mul3A_89, %add3A_111 : i32
        %swap3A_113 = arith.index_cast %add3A_112 : i32 to index
        %swap3A_114 = tpu.vector_load %arg7[%swap3A_113] {strides = array<i32>} : memref<12288xf32, #tpu.memory_space<vmem>>, vector<16xf32>,
        tpu.vector_store %arg7[%swap3A_113], %gather3A_105 {strides = array<i32>} : memref<12288xf32, #tpu.memory_space<vmem>>, vector<16xf32>,
        %add3A_115 = arith.constant 32 : i32
        %add3A_116 = arith.addi %mul3A_89, %add3A_115 : i32
        %swap3A_117 = arith.index_cast %add3A_116 : i32 to index
        %swap3A_118 = tpu.vector_load %arg7[%swap3A_117] {strides = array<i32>} : memref<12288xf32, #tpu.memory_space<vmem>>, vector<16xf32>,
        tpu.vector_store %arg7[%swap3A_117], %gather3A_106 {strides = array<i32>} : memref<12288xf32, #tpu.memory_space<vmem>>, vector<16xf32>,
        %add3A_119 = arith.constant 48 : i32
        %add3A_120 = arith.addi %mul3A_89, %add3A_119 : i32
        %swap3A_121 = arith.index_cast %add3A_120 : i32 to index
        %swap3A_122 = tpu.vector_load %arg7[%swap3A_121] {strides = array<i32>} : memref<12288xf32, #tpu.memory_space<vmem>>, vector<16xf32>,
        tpu.vector_store %arg7[%swap3A_121], %gather3A_107 {strides = array<i32>} : memref<12288xf32, #tpu.memory_space<vmem>>, vector<16xf32>,
      }
      %scan3A_86 = arith.constant 192 : i32
      "tpu.region"() ({
        %run_scoped3A = tpu.sem_alloc : memref<!tpu.dma_semaphore, #tpu.memory_space<semaphore_mem>>
        %dma_start3A = arith.constant 0 : i32
        %dma_start3A_87 = tpu.memref_slice %arg4[%select_n3A_64, %select_n3A_80, %dma_start3A] : memref<2x32x12288xf32, #tpu.memory_space<hbm>> -> memref<1x1x12288xf32, #tpu.memory_space<hbm>>
        %dma_start3A_88 = tpu.memref_squeeze %dma_start3A_87 : memref<1x1x12288xf32, #tpu.memory_space<hbm>> -> memref<12288xf32, #tpu.memory_space<hbm>>
        %dma_start3A_89 = arith.constant 0 : i32
        %dma_start3A_90 = tpu.memref_slice %arg4[%select_n3A_64, %select_n3A_80, %dma_start3A_89] : memref<2x32x12288xf32, #tpu.memory_space<hbm>> -> memref<1x1x12288xf32, #tpu.memory_space<hbm>>
        %dma_start3A_91 = tpu.memref_squeeze %dma_start3A_90 : memref<1x1x12288xf32, #tpu.memory_space<hbm>> -> memref<12288xf32, #tpu.memory_space<hbm>>
        tpu.enqueue_dma source(%arg7 : memref<12288xf32, #tpu.memory_space<vmem>>) target(%dma_start3A_91 : memref<12288xf32, #tpu.memory_space<hbm>>) target_semaphore(%run_scoped3A : memref<!tpu.dma_semaphore, #tpu.memory_space<semaphore_mem>>)
        %dma_wait3A = arith.constant 0 : i32
        %dma_wait3A_92 = tpu.memref_slice %arg4[%select_n3A_64, %select_n3A_80, %dma_wait3A] : memref<2x32x12288xf32, #tpu.memory_space<hbm>> -> memref<1x1x12288xf32, #tpu.memory_space<hbm>>
        %dma_wait3A_93 = tpu.memref_squeeze %dma_wait3A_92 : memref<1x1x12288xf32, #tpu.memory_space<hbm>> -> memref<12288xf32, #tpu.memory_space<hbm>>
        %dma_wait3A_94 = arith.constant 0 : i32
        %dma_wait3A_95 = tpu.memref_slice %arg4[%select_n3A_64, %select_n3A_80, %dma_wait3A_94] : memref<2x32x12288xf32, #tpu.memory_space<hbm>> -> memref<1x1x12288xf32, #tpu.memory_space<hbm>>
        %dma_wait3A_96 = tpu.memref_squeeze %dma_wait3A_95 : memref<1x1x12288xf32, #tpu.memory_space<hbm>> -> memref<12288xf32, #tpu.memory_space<hbm>>
        tpu.wait_dma2 semaphore(%run_scoped3A : memref<!tpu.dma_semaphore, #tpu.memory_space<semaphore_mem>>) src(%arg7 : memref<12288xf32, #tpu.memory_space<vmem>>) dst(%dma_wait3A_96 : memref<12288xf32, #tpu.memory_space<hbm>>)
        tpu.yield
      }) : () -> ()
    } else {
    }
    return
  }
}

module attributes {stable_mosaic.version = 14 : i64} {
  func.func @_loss(%arg0: memref<64x96x128xf32, #tpu.memory_space<vmem>>, %arg1: memref<64x96x128xf32, #tpu.memory_space<vmem>>, %arg2: memref<2x100x21xf32, #tpu.memory_space<vmem>>, %arg3: memref<2x30xi32, #tpu.memory_space<vmem>>, %arg4: memref<1x1x21xf32, #tpu.memory_space<vmem>>, %arg5: memref<3xf32, #tpu.memory_space<vmem>>) attributes {dimension_semantics = [], scalar_prefetch = 0 : i64, scratch_operands = 0 : i64, tpu.core_type = #tpu.core_type<tc>} {
    %get3A = arith.constant 0 : index
    %get3A_0 = arith.constant 0 : index
    %get3A_1 = arith.constant 0 : index
    %get3A_2 = vector.load %arg0[%get3A, %get3A_0, %get3A_1] : memref<64x96x128xf32, #tpu.memory_space<vmem>>, vector<64x96x128xf32>
    %get3A_3 = arith.constant 0 : index
    %get3A_4 = arith.constant 0 : index
    %get3A_5 = arith.constant 0 : index
    %get3A_6 = vector.load %arg1[%get3A_3, %get3A_4, %get3A_5] : memref<64x96x128xf32, #tpu.memory_space<vmem>>, vector<64x96x128xf32>
    %iota3A = tpu.iota {dimensions = array<i32: 1>} : vector<1x64xi32>
    %iota3A_7 = vector.shape_cast %iota3A : vector<1x64xi32> to vector<64xi32>
    %rem3A = arith.constant 32 : i32
    %rem3A_8 = vector.broadcast %rem3A : i32 to vector<64xi32>
    %rem3A_9 = arith.remsi %iota3A_7, %rem3A_8 : vector<64xi32>
    %lt3A = arith.constant 30 : i32
    %lt3A_10 = vector.broadcast %lt3A : i32 to vector<64xi32>
    %lt3A_11 = arith.cmpi slt, %rem3A_9, %lt3A_10 : vector<64xi32>
    %iota3A_12 = tpu.iota {dimensions = array<i32: 0>} : vector<64x1x1xi32>
    %rem3A_13 = arith.constant 32 : i32
    %rem3A_14 = vector.broadcast %rem3A_13 : i32 to vector<64x1x1xi32>
    %rem3A_15 = arith.remsi %iota3A_12, %rem3A_14 : vector<64x1x1xi32>
    %lt3A_16 = arith.constant 30 : i32
    %lt3A_17 = vector.broadcast %lt3A_16 : i32 to vector<64x1x1xi32>
    %lt3A_18 = arith.cmpi slt, %rem3A_15, %lt3A_17 : vector<64x1x1xi32>
    %jit3A = arith.constant 0.000000e+00 : f32
    %broadcast_in_dim3A = vector.shape_cast %lt3A_18 : vector<64x1x1xi1> to vector<64x1x1xi1>
    %broadcast_in_dim3A_19 = vector.broadcast %broadcast_in_dim3A : vector<64x1x1xi1> to vector<64x96x128xi1>
    %broadcast_in_dim3A_20 = vector.broadcast %jit3A : f32 to vector<64x96x128xf32>
    %select_n3A = arith.select %broadcast_in_dim3A_19, %get3A_2, %broadcast_in_dim3A_20 : vector<64x96x128xi1>, vector<64x96x128xf32>
    %jit3A_21 = arith.constant 0.000000e+00 : f32
    %broadcast_in_dim3A_22 = vector.shape_cast %lt3A_18 : vector<64x1x1xi1> to vector<64x1x1xi1>
    %broadcast_in_dim3A_23 = vector.broadcast %broadcast_in_dim3A_22 : vector<64x1x1xi1> to vector<64x96x128xi1>
    %broadcast_in_dim3A_24 = vector.broadcast %jit3A_21 : f32 to vector<64x96x128xf32>
    %select_n3A_25 = arith.select %broadcast_in_dim3A_23, %get3A_6, %broadcast_in_dim3A_24 : vector<64x96x128xi1>, vector<64x96x128xf32>
    %neg3A = arith.constant 0.000000e+00 : f32
    %neg3A_26 = vector.broadcast %neg3A : f32 to vector<64x96x128xf32>
    %neg3A_27 = arith.subf %neg3A_26, %select_n3A : vector<64x96x128xf32>
    %exp3A = math.exp %neg3A_27 : vector<64x96x128xf32>
    %add3A = arith.constant 1.000000e+00 : f32
    %add3A_28 = vector.broadcast %add3A : f32 to vector<64x96x128xf32>
    %add3A_29 = arith.addf %add3A_28, %exp3A : vector<64x96x128xf32>
    %div3A = arith.constant 1.000000e+00 : f32
    %div3A_30 = vector.broadcast %div3A : f32 to vector<64x96x128xf32>
    %div3A_31 = arith.divf %div3A_30, %add3A_29 : vector<64x96x128xf32>
    %mul3A = arith.mulf %div3A_31, %select_n3A_25 : vector<64x96x128xf32>
    %reduce_sum3A = arith.constant dense<0.000000e+00> : vector<64x96xf32>
    %reduce_sum3A_32 = vector.multi_reduction <add>, %mul3A, %reduce_sum3A [2] : vector<64x96x128xf32> to vector<64x96xf32>
    %reduce_sum3A_33 = arith.constant dense<0.000000e+00> : vector<64xf32>
    %reduce_sum3A_34 = vector.multi_reduction <add>, %reduce_sum3A_32, %reduce_sum3A_33 [1] : vector<64x96xf32> to vector<64xf32>
    %mul3A_35 = arith.constant 2.000000e+00 : f32
    %mul3A_36 = vector.broadcast %mul3A_35 : f32 to vector<64xf32>
    %mul3A_37 = arith.mulf %mul3A_36, %reduce_sum3A_34 : vector<64xf32>
    %reduce_sum3A_38 = arith.constant dense<0.000000e+00> : vector<64x96xf32>
    %reduce_sum3A_39 = vector.multi_reduction <add>, %div3A_31, %reduce_sum3A_38 [2] : vector<64x96x128xf32> to vector<64x96xf32>
    %reduce_sum3A_40 = arith.constant dense<0.000000e+00> : vector<64xf32>
    %reduce_sum3A_41 = vector.multi_reduction <add>, %reduce_sum3A_39, %reduce_sum3A_40 [1] : vector<64x96xf32> to vector<64xf32>
    %reduce_sum3A_42 = arith.constant dense<0.000000e+00> : vector<64x96xf32>
    %reduce_sum3A_43 = vector.multi_reduction <add>, %select_n3A_25, %reduce_sum3A_42 [2] : vector<64x96x128xf32> to vector<64x96xf32>
    %reduce_sum3A_44 = arith.constant dense<0.000000e+00> : vector<64xf32>
    %reduce_sum3A_45 = vector.multi_reduction <add>, %reduce_sum3A_43, %reduce_sum3A_44 [1] : vector<64x96xf32> to vector<64xf32>
    %add3A_46 = arith.addf %reduce_sum3A_41, %reduce_sum3A_45 : vector<64xf32>
    %add3A_47 = arith.constant 1.000000e+00 : f32
    %add3A_48 = vector.broadcast %add3A_47 : f32 to vector<64xf32>
    %add3A_49 = arith.addf %mul3A_37, %add3A_48 : vector<64xf32>
    %add3A_50 = arith.constant 1.000000e+00 : f32
    %add3A_51 = vector.broadcast %add3A_50 : f32 to vector<64xf32>
    %add3A_52 = arith.addf %add3A_46, %add3A_51 : vector<64xf32>
    %div3A_53 = arith.divf %add3A_49, %add3A_52 : vector<64xf32>
    %sub3A = arith.constant 1.000000e+00 : f32
    %sub3A_54 = vector.broadcast %sub3A : f32 to vector<64xf32>
    %sub3A_55 = arith.subf %sub3A_54, %div3A_53 : vector<64xf32>
    %jit3A_56 = arith.constant 0.000000e+00 : f32
    %broadcast_in_dim3A_57 = vector.broadcast %jit3A_56 : f32 to vector<64xf32>
    %select_n3A_58 = arith.select %lt3A_11, %sub3A_55, %broadcast_in_dim3A_57 : vector<64xi1>, vector<64xf32>
    %reduce_sum3A_59 = vector.shape_cast %select_n3A_58 : vector<64xf32> to vector<1x64xf32>
    %reduce_sum3A_60 = arith.constant dense<0.000000e+00> : vector<1xf32>
    %reduce_sum3A_61 = vector.multi_reduction <add>, %reduce_sum3A_59, %reduce_sum3A_60 [1] : vector<1x64xf32> to vector<1xf32>
    %reduce_sum3A_62 = vector.shape_cast %reduce_sum3A_61 : vector<1xf32> to vector<1x1xf32>
    %reduce_sum3A_63 = vector.extract %reduce_sum3A_62[0, 0] : f32 from vector<1x1xf32>
    %mul3A_64 = arith.constant 0.0166666675 : f32
    %mul3A_65 = arith.mulf %reduce_sum3A_63, %mul3A_64 : f32
    %max3A = arith.constant 0.000000e+00 : f32
    %max3A_66 = vector.broadcast %max3A : f32 to vector<64x96x128xf32>
    %max3A_67 = arith.maximumf %select_n3A, %max3A_66 : vector<64x96x128xf32>
    %mul3A_68 = arith.mulf %select_n3A, %select_n3A_25 : vector<64x96x128xf32>
    %sub3A_69 = arith.subf %max3A_67, %mul3A_68 : vector<64x96x128xf32>
    %abs3A = math.absf %select_n3A : vector<64x96x128xf32>
    %neg3A_70 = arith.constant 0.000000e+00 : f32
    %neg3A_71 = vector.broadcast %neg3A_70 : f32 to vector<64x96x128xf32>
    %neg3A_72 = arith.subf %neg3A_71, %abs3A : vector<64x96x128xf32>
    %exp3A_73 = math.exp %neg3A_72 : vector<64x96x128xf32>
    %log1p3A = math.log1p %exp3A_73 : vector<64x96x128xf32>
    %add3A_74 = arith.addf %sub3A_69, %log1p3A : vector<64x96x128xf32>
    %reduce_sum3A_75 = arith.constant dense<0.000000e+00> : vector<64x96xf32>
    %reduce_sum3A_76 = vector.multi_reduction <add>, %add3A_74, %reduce_sum3A_75 [2] : vector<64x96x128xf32> to vector<64x96xf32>
    %reduce_sum3A_77 = arith.constant dense<0.000000e+00> : vector<64xf32>
    %reduce_sum3A_78 = vector.multi_reduction <add>, %reduce_sum3A_76, %reduce_sum3A_77 [1] : vector<64x96xf32> to vector<64xf32>
    %mul3A_79 = arith.constant 8.13802107E-5 : f32
    %mul3A_80 = vector.broadcast %mul3A_79 : f32 to vector<64xf32>
    %mul3A_81 = arith.mulf %reduce_sum3A_78, %mul3A_80 : vector<64xf32>
    %jit3A_82 = arith.constant 0.000000e+00 : f32
    %broadcast_in_dim3A_83 = vector.broadcast %jit3A_82 : f32 to vector<64xf32>
    %select_n3A_84 = arith.select %lt3A_11, %mul3A_81, %broadcast_in_dim3A_83 : vector<64xi1>, vector<64xf32>
    %reduce_sum3A_85 = vector.shape_cast %select_n3A_84 : vector<64xf32> to vector<1x64xf32>
    %reduce_sum3A_86 = arith.constant dense<0.000000e+00> : vector<1xf32>
    %reduce_sum3A_87 = vector.multi_reduction <add>, %reduce_sum3A_85, %reduce_sum3A_86 [1] : vector<1x64xf32> to vector<1xf32>
    %reduce_sum3A_88 = vector.shape_cast %reduce_sum3A_87 : vector<1xf32> to vector<1x1xf32>
    %reduce_sum3A_89 = vector.extract %reduce_sum3A_88[0, 0] : f32 from vector<1x1xf32>
    %mul3A_90 = arith.constant 0.0166666675 : f32
    %mul3A_91 = arith.mulf %reduce_sum3A_89, %mul3A_90 : f32
    %get3A_92 = arith.constant 0 : index
    %get3A_93 = arith.constant 0 : index
    %get3A_94 = arith.constant 0 : index
    %get3A_95 = vector.load %arg2[%get3A_92, %get3A_93, %get3A_94] : memref<2x100x21xf32, #tpu.memory_space<vmem>>, vector<2x100x21xf32>
    %reduce_max3A = arith.constant dense<0xFF800000> : vector<2x100xf32>
    %reduce_max3A_96 = vector.multi_reduction <maximumf>, %get3A_95, %reduce_max3A [2] : vector<2x100x21xf32> to vector<2x100xf32>
    %broadcast_in_dim3A_97 = vector.shape_cast %reduce_max3A_96 : vector<2x100xf32> to vector<2x100x1xf32>
    %sub3A_98 = vector.broadcast %broadcast_in_dim3A_97 : vector<2x100x1xf32> to vector<2x100x21xf32>
    %sub3A_99 = arith.subf %get3A_95, %sub3A_98 : vector<2x100x21xf32>
    %exp3A_100 = math.exp %sub3A_99 : vector<2x100x21xf32>
    %reduce_sum3A_101 = arith.constant dense<0.000000e+00> : vector<2x100xf32>
    %reduce_sum3A_102 = vector.multi_reduction <add>, %exp3A_100, %reduce_sum3A_101 [2] : vector<2x100x21xf32> to vector<2x100xf32>
    %broadcast_in_dim3A_103 = vector.shape_cast %reduce_sum3A_102 : vector<2x100xf32> to vector<2x100x1xf32>
    %log3A = math.log %broadcast_in_dim3A_103 : vector<2x100x1xf32>
    %add3A_104 = arith.addf %broadcast_in_dim3A_97, %log3A : vector<2x100x1xf32>
    %sub3A_105 = vector.broadcast %add3A_104 : vector<2x100x1xf32> to vector<2x100x21xf32>
    %sub3A_106 = arith.subf %get3A_95, %sub3A_105 : vector<2x100x21xf32>
    %get3A_107 = arith.constant 0 : index
    %get3A_108 = arith.constant 0 : index
    %get3A_109 = vector.load %arg3[%get3A_107, %get3A_108] : memref<2x30xi32, #tpu.memory_space<vmem>>, vector<2x30xi32>
    %broadcast_in_dim3A_110 = arith.constant 20 : i32
    %broadcast_in_dim3A_111 = vector.broadcast %broadcast_in_dim3A_110 : i32 to vector<2x70xi32>
    %concatenate3A = tpu.concatenate %get3A_109, %broadcast_in_dim3A_111 in 1 : vector<2x30xi32>, vector<2x70xi32> -> vector<2x100xi32>
    %iota3A_112 = tpu.iota {dimensions = array<i32: 2>} : vector<2x100x21xi32>
    %broadcast_in_dim3A_113 = vector.shape_cast %concatenate3A : vector<2x100xi32> to vector<2x100x1xi32>
    %eq3A = vector.broadcast %broadcast_in_dim3A_113 : vector<2x100x1xi32> to vector<2x100x21xi32>
    %eq3A_114 = arith.cmpi eq, %iota3A_112, %eq3A : vector<2x100x21xi32>
    %jit3A_115 = arith.constant 0.000000e+00 : f32
    %broadcast_in_dim3A_116 = vector.broadcast %jit3A_115 : f32 to vector<2x100x21xf32>
    %select_n3A_117 = arith.select %eq3A_114, %sub3A_106, %broadcast_in_dim3A_116 : vector<2x100x21xi1>, vector<2x100x21xf32>
    %reduce_sum3A_118 = arith.constant dense<0.000000e+00> : vector<2x100xf32>
    %reduce_sum3A_119 = vector.multi_reduction <add>, %select_n3A_117, %reduce_sum3A_118 [2] : vector<2x100x21xf32> to vector<2x100xf32>
    %neg3A_120 = arith.constant 0.000000e+00 : f32
    %neg3A_121 = vector.broadcast %neg3A_120 : f32 to vector<2x100xf32>
    %neg3A_122 = arith.subf %neg3A_121, %reduce_sum3A_119 : vector<2x100xf32>
    %get3A_123 = arith.constant 0 : index
    %get3A_124 = arith.constant 0 : index
    %get3A_125 = arith.constant 0 : index
    %get3A_126 = vector.load %arg4[%get3A_123, %get3A_124, %get3A_125] : memref<1x1x21xf32, #tpu.memory_space<vmem>>, vector<1x1x21xf32>
    %jit3A_127 = arith.constant 0.000000e+00 : f32
    %broadcast_in_dim3A_128 = vector.shape_cast %get3A_126 : vector<1x1x21xf32> to vector<1x1x21xf32>
    %broadcast_in_dim3A_129 = vector.broadcast %broadcast_in_dim3A_128 : vector<1x1x21xf32> to vector<2x100x21xf32>
    %broadcast_in_dim3A_130 = vector.broadcast %jit3A_127 : f32 to vector<2x100x21xf32>
    %select_n3A_131 = arith.select %eq3A_114, %broadcast_in_dim3A_129, %broadcast_in_dim3A_130 : vector<2x100x21xi1>, vector<2x100x21xf32>
    %reduce_sum3A_132 = arith.constant dense<0.000000e+00> : vector<2x100xf32>
    %reduce_sum3A_133 = vector.multi_reduction <add>, %select_n3A_131, %reduce_sum3A_132 [2] : vector<2x100x21xf32> to vector<2x100xf32>
    %mul3A_134 = arith.mulf %neg3A_122, %reduce_sum3A_133 : vector<2x100xf32>
    %reduce_sum3A_135 = vector.shape_cast %mul3A_134 : vector<2x100xf32> to vector<1x2x100xf32>
    %reduce_sum3A_136 = arith.constant dense<0.000000e+00> : vector<1xf32>
    %reduce_sum3A_137 = vector.multi_reduction <add>, %reduce_sum3A_135, %reduce_sum3A_136 [1, 2] : vector<1x2x100xf32> to vector<1xf32>
    %reduce_sum3A_138 = vector.shape_cast %reduce_sum3A_137 : vector<1xf32> to vector<1x1x1xf32>
    %reduce_sum3A_139 = vector.extract %reduce_sum3A_138[0, 0, 0] : f32 from vector<1x1x1xf32>
    %reduce_sum3A_140 = vector.shape_cast %reduce_sum3A_133 : vector<2x100xf32> to vector<1x2x100xf32>
    %reduce_sum3A_141 = arith.constant dense<0.000000e+00> : vector<1xf32>
    %reduce_sum3A_142 = vector.multi_reduction <add>, %reduce_sum3A_140, %reduce_sum3A_141 [1, 2] : vector<1x2x100xf32> to vector<1xf32>
    %reduce_sum3A_143 = vector.shape_cast %reduce_sum3A_142 : vector<1xf32> to vector<1x1x1xf32>
    %reduce_sum3A_144 = vector.extract %reduce_sum3A_143[0, 0, 0] : f32 from vector<1x1x1xf32>
    %div3A_145 = arith.divf %reduce_sum3A_139, %reduce_sum3A_144 : f32
    %mul3A_146 = arith.constant 2.000000e+00 : f32
    %mul3A_147 = arith.mulf %mul3A_146, %div3A_145 : f32
    %mul3A_148 = arith.constant 5.000000e+00 : f32
    %mul3A_149 = arith.mulf %mul3A_148, %mul3A_91 : f32
    %mul3A_150 = arith.constant 5.000000e+00 : f32
    %mul3A_151 = arith.mulf %mul3A_150, %mul3A_65 : f32
    %stack3A = vector.broadcast %mul3A_147 : f32 to vector<1xf32>
    %stack3A_152 = vector.broadcast %mul3A_149 : f32 to vector<1xf32>
    %stack3A_153 = vector.broadcast %mul3A_151 : f32 to vector<1xf32>
    %stack3A_154 = tpu.concatenate %stack3A, %stack3A_152, %stack3A_153 in 0 : vector<1xf32>, vector<1xf32>, vector<1xf32> -> vector<3xf32>
    %swap3A = arith.constant 0 : index
    %swap3A_155 = vector.load %arg5[%swap3A] : memref<3xf32, #tpu.memory_space<vmem>>, vector<3xf32>
    tpu.vector_store %arg5[%swap3A], %stack3A_154 {strides = array<i32>} : memref<3xf32, #tpu.memory_space<vmem>>, vector<3xf32>,
    return
  }
}

</mosaic_0001>

<sc_bundles>
// kernel: kernel.5.cloned.1.call-start
scs
__scs_entry_jumppad:
0x0: {  	(pc) =	sbr.rel $0x88, $3  }
0x1: {  	(tag) =	ssettag $0x0;
	lr =	simm.s32 $0x1  }
0x2: {  	[smem:$0x3F9B] =	sst lr;
	_ =	strace $0xD0000000  }
0x3: {  	_ = 	snop  }
0x4: {  	_ = 	snop  }
0x5: {  	_ = 	snop  }
0x6: {  	_ = 	snop  }
0x7: {  	_ = 	snop  }
__scs_overlays_trampoline_lowered:
0x8: {  	[smem:$0x3FAA] =	sst s0  }
0x9: {  	[smem:$0x3FAB] =	sst s1  }
0xa: {  	[smem:$0x3FAC] =	sst s2  }
0xb: {  	[smem:$0x3FAD] =	sst s3  }
0xc: {  	[smem:$0x3FAE] =	sst s4  }
0xd: {  	[smem:$0x3FAF] =	sst s5  }
0xe: {  	[smem:$0x3FB0] =	sst s6  }
0xf: {  	[smem:$0x3FB1] =	sst s7  }
0x10: {  	[smem:$0x3FB2] =	sst s8  }
0x11: {  	[smem:$0x3FB3] =	sst s9;
	s0 =	simm.s32 @!p0 $0x0  }
0x12: {  	s1 =	sld [smem:$0x3F99];
	s0 =	simm.s32 @p0 $0x1  }
0x13: {  	[smem:$0x3FB4] =	sst s0;
	s0 =	simm.s32 @!p1 $0x0  }
0x14: {  	s2 =	sld [smem:$0x3F98];
	s0 =	simm.s32 @p1 $0x1  }
0x15: {  	[smem:$0x3FB5] =	sst s0;
	s0 =	simm.s32 @!p2 $0x0  }
0x16: {  	s3 =	sld [smem:$0x3FDB];
	s0 =	simm.s32 @p2 $0x1  }
0x17: {  	s4 =	simm.s32 $0x1BF5;
	[smem:$0x3FB7] =	sst s0  }
0x18: {  	s0 =	sld [smem:$0x3F9A];
	_ =	swait.ge [sflag:s4], $0x0  }
0x19: {  	s7 =	sld [smem:$0x3F9B]  }
0x1a: {  	s8 =	sadd.s32 $0xFFFFE003, lr  }
0x1b: {  	s9 =	sadd.s32 $0xFFFFFEF7, lr;
	s5 =	simm.s32 $0xFFFFFFFF;
	p2 =	slt.u32 s8, $0xFFFFF086  }
0x1c: {  	p1 =	slt.u32 s9, $0xF7A;
	s5 =	simm.s32 @!p2 $0x0  }
0x1d: {  	s5 =	simm.s32 @p1 $0x1;
	p0 =	seq.s32 s7, s2  }
0x1e: {  	s7 =	smul.u32 @!p0 $0xF7A, s2;
	p2 =	seq.s32 @!p0 s5, $0x0  }
0x1f: {  	s9 =	smul.u32 $0xF7A, s1;
	s8 =	simm.s32 @!p0 $0x1BF5;
	p2 =	por !p2, p0  }
0x20: {  	[sflag:s8] =	ssyncset.s32 @!p0 $0xFFFFF086;
	s6 =	sadd.s32 @!p0 s3, s7;
	s7 =	simm.s32 @!p0 $0x108  }
0x21: {  	s3 =	sadd.s32 s3, s9;
	s6 =	sadd.s32 @!p0 $0x88, s6;
	s7 =	simm.s32 @p2 $0x1082  }
0x22: {  	[simem:s7], [sflag:s8] =	dma.local @!p0 [hbm:s6], $0xF7A  }
0x23: {  	s9 =	sor.u32 $0xD0000000, s2;
	s6 =	simm.s32 $0x108;
	_ =	swait.ge @!p0 [sflag:s8], $0x0  }
0x24: {  	s3 =	sadd.s32 $0x88, s3;
	s6 =	simm.s32 @!p1 $0x1082;
	[sflag:s4] =	ssyncset.s32 $0xFFFFF086  }
0x25: {  	[simem:s6], [sflag:s4] =	dma.local [hbm:s3], $0xF7A  }
0x26: {  	[smem:$0x3F9B] =	sst s1;
	(tag) =	ssettag s2;
	_ =	strace s9  }
0x27: {  	s1 =	sld [smem:$0x3FAB]  }
0x28: {  	s2 =	sld [smem:$0x3FAC]  }
0x29: {  	s4 =	sld [smem:$0x3FAE]  }
0x2a: {  	p0 =	seq.s32 s5, $0x0;
	s5 =	sld [smem:$0x3FAF]  }
0x2b: {  	s6 =	sld [smem:$0x3FB0]  }
0x2c: {  	s7 =	sld [smem:$0x3FB1]  }
0x2d: {  	s3 =	simm.s32 $0x108;
	s8 =	sld [smem:$0x3FB2]  }
0x2e: {  	s3 =	simm.s32 @!p0 $0x1082;
	s9 =	sld [smem:$0x3FB3]  }
0x2f: {  	lr =	sadd.s32 s0, s3;
	s0 =	sld [smem:$0x3FAA]  }
0x30: {  	s3 =	sld [smem:$0x3FAD]  }
0x31: {  	[smem:$0x3FB6] =	sst s10  }
0x32: {  	s10 =	sld [smem:$0x3FB4];
	_ =	sdelay $0x3  }
0x33: {  	p0 =	seq.s32 s10, $0x1;
	s10 =	sld [smem:$0x3FB6];
	_ =	sdelay $0x3  }
0x34: {  	[smem:$0x3FB6] =	sst s10  }
0x35: {  	s10 =	sld [smem:$0x3FB5];
	_ =	sdelay $0x3  }
0x36: {  	p1 =	seq.s32 s10, $0x1;
	s10 =	sld [smem:$0x3FB6];
	_ =	sdelay $0x3  }
0x37: {  	[smem:$0x3FB6] =	sst s10  }
0x38: {  	s10 =	sld [smem:$0x3FB7]  }
0x39: {  	_ = 	snop;
	(pc) =	sbr.ind lr, $3  }
0x3a: {  	_ = 	snop  }
0x3b: {  	_ = 	snop  }
0x3c: {  	p2 =	seq.s32 s10, $0x1;
	s10 =	sld [smem:$0x3FB6]  }
0x3d: {  	_ =	shalt  }
0x3e: {  	_ =	shalt  }
0x3f: {  	_ =	shalt  }
0x40: {  	_ =	shalt  }
0x41: {  	_ =	shalt  }
0x42: {  	_ =	shalt  }
0x43: {  	_ =	shalt  }
0x44: {  	_ =	shalt  }
0x45: {  	_ =	shalt  }
0x46: {  	_ =	shalt  }
0x47: {  	_ =	shalt  }
0x48: {  	_ =	shalt  }
0x49: {  	_ =	shalt  }
0x4a: {  	_ =	shalt  }
0x4b: {  	_ =	shalt  }
0x4c: {  	_ =	shalt  }
0x4d: {  	_ =	shalt  }
0x4e: {  	_ =	shalt  }
0x4f: {  	_ =	shalt  }
0x50: {  	_ =	shalt  }
0x51: {  	_ =	shalt  }
0x52: {  	_ =	shalt  }
0x53: {  	_ =	shalt  }
0x54: {  	_ =	shalt  }
0x55: {  	_ =	shalt  }
0x56: {  	_ =	shalt  }
0x57: {  	_ =	shalt  }
0x58: {  	_ =	shalt  }
0x59: {  	_ =	shalt  }
0x5a: {  	_ =	shalt  }
0x5b: {  	_ =	shalt  }
0x5c: {  	_ =	shalt  }
0x5d: {  	_ =	shalt  }
0x5e: {  	_ =	shalt  }
0x5f: {  	_ =	shalt  }
0x60: {  	_ =	shalt  }
0x61: {  	_ =	shalt  }
0x62: {  	_ =	shalt  }
0x63: {  	_ =	shalt  }
0x64: {  	_ =	shalt  }
0x65: {  	_ =	shalt  }
0x66: {  	_ =	shalt  }
0x67: {  	_ =	shalt  }
0x68: {  	_ =	shalt  }
0x69: {  	_ =	shalt  }
0x6a: {  	_ =	shalt  }
0x6b: {  	_ =	shalt  }
0x6c: {  	_ =	shalt  }
0x6d: {  	_ =	shalt  }
0x6e: {  	_ =	shalt  }
0x6f: {  	_ =	shalt  }
0x70: {  	_ =	shalt  }
0x71: {  	_ =	shalt  }
0x72: {  	_ =	shalt  }
0x73: {  	_ =	shalt  }
0x74: {  	_ =	shalt  }
0x75: {  	_ =	shalt  }
0x76: {  	_ =	shalt  }
0x77: {  	_ =	shalt  }
0x78: {  	_ =	shalt  }
0x79: {  	_ =	shalt  }
0x7a: {  	_ =	shalt  }
0x7b: {  	_ =	shalt  }
0x7c: {  	_ =	shalt  }
0x7d: {  	_ =	shalt  }
0x7e: {  	_ =	shalt  }
0x7f: {  	_ =	shalt  }
0x80: {  	_ =	shalt  }
0x81: {  	_ =	shalt  }
0x82: {  	_ =	shalt  }
0x83: {  	_ =	shalt  }
0x84: {  	_ =	shalt  }
0x85: {  	_ =	shalt  }
0x86: {  	_ =	shalt  }
0x87: {  	_ =	shalt  }
.Lfunc_end0:
.L_simem_size_0:
called_computation_lowered:
.L_overlay_start_0:
0x88: {  	s2 =	sld [smem:$0x3FD9]  }
0x89: {  	s3 =	sld [smem:$0x3FFE];
	_ =	sdelay $0x1  }
0x8a: {  	s1 =	srdreg.scid  }
0x8b: {  	s0 =	sand.u32 $0x1, s1  }
0x8c: {  	s16 =	sshll.u32 s0, $0xA;
	s2 =	sadd.s32 s3, s2  }
0x8d: {  	s2 =	sadd.s32 s2, s16  }
0x8e: {  	[smem:$0x3FC2] =	sst s2  }
0x8f: {  	_ = 	snop  }
0x90: {  	(tm) =	ssettm $0x1  }
0x91: {  	s17 =	sld [smem:$0x3FFB];
	_ =	sdelay $0x3  }
0x92: {  	_ =	strace s17  }
0x93: {  	s2 =	sld [smem:$0x3FFC];
	_ =	sdelay $0x3  }
0x94: {  	_ =	strace s2  }
0x95: {  	s2 =	sld [smem:$0x3FFD];
	_ =	sdelay $0x3  }
0x96: {  	_ =	strace s2  }
0x97: {  	_ =	strace $0x8FFFFFFF  }
0x98: {  	s18 =	sld [smem:$0x3FDB];
	_ =	sdelay $0x1  }
0x99: {  	s19 =	simm.s32 $_scs_section_size  }
0x9a: {  	s4 =	simm.s32 $_size__tile_overlayer_lowered;
	s5 =	simm.s32 $_tile_overlayer_lowered  }
0x9b: {  	s22 =	simm.s32 $0x1BFF;
	s21 =	sshll.u32 s5, $0x1;
	s2 =	sadd.s32 s19, s18  }
0x9c: {  	s6 =	simm.s32 $0x0;
	s20 =	sshll.u32 s4, $0x1;
	s4 =	sadd.s32 s21, s2  }
0x9d: {  	[timem:s6], [sflag:s22] =	dma.local [hbm:s4], s20  }
0x9e: {  	_ =	swait.ge [sflag:s22], s20  }
0x9f: {  	s3 =	ssub.s32 $0x0, s20;
	[sflag:s22] =	ssyncset.done $0x0  }
0xa0: {  	[sflag:s22] =	ssyncadd.s32 s3;
	_ =	sdelay $0x1  }
0xa1: {  	s23 =	simm.s32 $0x1B8B  }
0xa2: {  	_ =	swait.ge [sflag:s23], $0x1  }
0xa3: {  	[sflag:s23] =	ssyncset.done $0x0  }
0xa4: {  	s25 =	simm.s32 $0x1B8E;
	s24 =	sld [smem:$0x3FFE];
	[sflag:s23] =	ssyncadd.s32 $0xFFFFFFFF  }
0xa5: {  	s26 =	simm.s32 $execute0_lowered;
	[smem:$0x3FD2] =	sst s25  }
0xa6: {  	s4 =	sshll.u32 s26, $0x1;
	_ =	strace $0x80000046;
	[dreg:$0x1] =	wrdreg $0xFFFFFFFF  }
0xa7: {  	s28 =	simm.s32 $_size_execute0_lowered;
	s2 =	sadd.s32 s2, s4;
	[dreg:$0x0] =	wrdreg $0x0  }
0xa8: {  	s4 =	sshll.u32 s28, $0x1;
	[dreg:$0x2] =	wrdreg s2  }
0xa9: {  	[dreg:$0x3] =	wrdreg s4  }
0xaa: {  	[dreg:$0x4] =	wrdreg $0xC0  }
0xab: {  	_ =	task [dreg:s6], $0x5FFFF  }
0xac: {  	[dreg:$0x1] =	wrdreg $0xFFFFFFFF  }
0xad: {  	[dreg:$0x0] =	wrdreg $0x60  }
0xae: {  	[dreg:$0x2] =	wrdreg s24  }
0xaf: {  	[dreg:$0x3] =	wrdreg $0x9  }
0xb0: {  	_ =	task.clear_ibuf [dreg:s6], $0x4FFFF;
	_ =	strace $0x90000046  }
0xb1: {  	s29 =	simm.s32 $0x9;
	_ =	strace $0x80000048  }
0xb2: {  	_ =	swait.ge [sflag:s29], $0x1  }
0xb3: {  	[sflag:s29] =	ssyncadd.s32 $0xFFFFFFFF  }
0xb4: {  	_ =	strace $0x90000048  }
0xb5: {  	_ =	sfence  }
0xb6: {  	s30 =	sld [smem:$0x0];
	_ =	sdelay $0x2  }
0xb7: {  	s31 =	sshll.u32 s1, $0xD;
	s1 =	sshrl.u32 s1, $0x2  }
0xb8: {  	s3 =	sand.u32 $0x4000, s31;
	s1 =	sadd.s32 s1, s30  }
0xb9: {  	s0 =	sor.u32 s3, s0;
	s1 =	sshll.u32 s1, $0x11  }
0xba: {  	s0 =	sor.u32 s1, s0  }
0xbb: {  	s0 =	sadd.s32 $0x8F2B, s0  }
0xbc: {  	[sflag:s0] =	ssyncadd.remote.s32 $0x1  }
0xbd: {  	_ =	sfence.sel $0xFFFF  }
0xbe: {  	[dreg:$0x0] =	wrdreg $0xFFFFFFFF;
	(pc) =	sbr.abs _section_cstart, $3  }
0xbf: {  	[dreg:$0x1] =	wrdreg $0xFFFFFFFF  }
0xc0: {  	_ =	task.clear_ibuf [dreg:s6], $0x2FFFF;
	_ =	strace $0x9FFFFFFF  }
0xc1: {  	(tm) =	ssettm $0x7FFFFFFF  }
tec
execute0_lowered:
.L_overlay_start_1:
0x0: {  	(tag) =	ssettag $0x1  }
0x1: {  	s0 =	stileid.u32  }
0x2: {  	s1 =	srdreg.scid;
	s7 =	rddreg [dreg:$0x0];
	s2 =	simm.s32 $0x0  }
0x3: {  	s3 =	sand.u32 $0x1, s1;
	s4 =	sshll.u32 s0, $0x1;
	s1 =	rddreg [dreg:$0x1]  }
0x4: {  	s9 =	simm.s32 $0x600;
	[smem:$0x7FF] =	sst s2;
	s5 =	sor.u32 s3, s4  }
0x5: {  	p0 =	seq.s32 s0, $0xF;
	s10 =	sadd.s32 $0x1E00, s7;
	s6 =	sor.u32 $0x20, s5  }
0x6: {  	s26 =	sadd.s32 $0x5D800, s7;
	_ =	strace $0x80000047;
	s8 =	sand.u32 $0xFF, s6  }
0x7: {  	s9 =	simm.s32 @!p0 $0x0;
	s3 =	ssub.s32 $0x2, s3;
	s8 =	smul.u32 $0x89, s8  }
0x8: {  	p1 =	slt.u32 s4, $0x1E;
	s9 =	sadd.s32 s9, s7;
	s11 =	sshrl.u32 s3, $0x1  }
0x9: {  	s12 =	sadd.s32 $0xFFFFFFE2, s5;
	s11 =	ssub.s32 s3, s11;
	s8 =	sshrl.u32 s8, $0xC  }
0xa: {  	s12 =	smov.u32 @p1 s5;
	s3 =	simm.s32 $0x16E360;
	s25 =	smul.u32 $0x1E, s8  }
0xb: {  	s7 =	sadd.s32 $0x1800, s7;
	s5 =	smul.u32 $0xC350, s12;
	s3 =	simm.s32 @!p0 $0x0  }
0xc: {  	s28 =	smul.u32 $0x3000, s12;
	s12 =	simm.s32 $0xF350;
	s4 =	ssub.s32 s6, s25  }
0xd: {  	s3 =	sadd.s32 s3, s5;
	s5 =	simm.s32 $0x60000;
	s4 =	sand.u32 $0xFF, s4  }
0xe: {  	s3 =	sshrl.u32 s3, $0x3;
	s5 =	simm.s32 @!p0 $0x0;
	s29 =	smul.u32 $0xC350, s4  }
0xf: {  	p0 =	sgt.u32 s0, $0xD;
	s5 =	sadd.s32 s5, s28;
	s13 =	smul.u32 $0x3000, s4  }
.Ltmp0:
0x10: {  	s3 =	sadd.s32 s10, s3;
	s5 =	sshrl.u32 s5, $0x3;
	(pc) =	sbr.rel .LBB2_1-.Ltmp0, $4  }
0x11: {  	s5 =	sadd.s32 s26, s5;
	s4 =	sadd.s32 $0x1200, s9;
	s9 =	smax.u32 s11, $0x1  }
0x12: {  	s11 =	simm.s32 $0xC350;
	s30 =	sshrl.u32 s29, $0x3;
	s31 =	sshrl.u32 s13, $0x3  }
0x13: {  	s13 =	simm.s32 $0x0;
	s6 =	sadd.s32 s10, s30;
	s8 =	sadd.s32 s26, s31  }
0x14: {  	s10 =	simm.s32 $0x1;
	s6 =	sadd.s32 $0x2DC6C, s6;
	s8 =	sadd.s32 $0xC000, s8  }
.LBB2_6:
0x15: {  	_ =	sdelay $0x3  }
0x16: {  	v1 =	vld.idx.msk [tilespmem:v1+s2+$0x0], $0xffff  }
0x17: {  	v2 =	vld.idx.msk [tilespmem:v2+s2+$0x0], $0xffff  }
0x18: {  	v0 =	vld.idx.msk [tilespmem:v0+s2+$0x0], $0xffff  }
0x19: {  	v7 =	vld [tilespmem:s14+$0xC360]  }
0x1a: {  	[tilespmem:s15+$0xF350] =	vst v6  }
0x1b: {  	[tilespmem:s15+$0xF370] =	vst v1  }
0x1c: {  	[tilespmem:s15+$0xF380] =	vst v2  }
0x1d: {  	[tilespmem:s15+$0xF360] =	vst v0  }
0x1e: {  	v0 =	vld.idx.msk [tilespmem:v5+s2+$0x0], $0xffff  }
0x1f: {  	v1 =	vld.idx.msk [tilespmem:v3+s2+$0x0], $0xffff  }
0x20: {  	v2 =	vld.idx.msk [tilespmem:v4+s2+$0x0], $0xffff  }
0x21: {  	v63 =	vld.idx.msk [tilespmem:v7+s2+$0x0], $0xffff;
	_ =	sdelay $0x1  }
0x22: {  	[tilespmem:s14+$0xF350] =	vst v0  }
0x23: {  	[tilespmem:s14+$0xF370] =	vst v1  }
0x24: {  	[tilespmem:s14+$0xF380] =	vst v2  }
0x25: {  	[tilespmem:s14+$0xF360] =	vst v63  }
0x26: {  	[hbm4b:s8+s2] =	stream.linear.scatter [tilespmem:s12], [sflag:$0x1], $0x3000, $0x38;
	[tilespmem:$0x12350] =	vst v63  }
0x27: {  	_ =	swait.ge [sflag:s10], $0x3000  }
0x28: {  	[sflag:s10] =	ssyncset.done $0x0  }
0x29: {  	[sflag:s10] =	ssyncadd.s32 $0xFFFFD000  }
.LBB2_7:
0x2a: {  	s13 =	sadd.s32 $0x1, s13  }
0x2b: {  	p1 =	sne.s32 s13, s9  }
.Ltmp1:
0x2c: {  	_ = 	snop;
	(pc) =	sbr.rel @!p1 .LBB2_8-.Ltmp1, $1  }
0x2d: {  	_ =	sdelay $0x3  }
.LBB2_1:
0x2e: {  	[tilespmem:s2], [sflag:$0x1] =	stream.linear.gather [hbm4b:s3+s2], $0xC350, $0x38;
	[tilespmem:$0x12350] =	vst v63  }
0x2f: {  	_ =	swait.ge [sflag:s10], $0xC350  }
0x30: {  	[sflag:s10] =	ssyncset.done $0x0  }
0x31: {  	[sflag:s10] =	ssyncadd.s32 $0xFFFF3CB0  }
0x32: {  	[tilespmem:s11], [sflag:$0x1] =	stream.linear.gather [hbm4b:s4+s2], $0x3000, $0x38;
	[tilespmem:$0x12350] =	vst v63  }
0x33: {  	_ =	swait.ge [sflag:s10], $0x3000  }
0x34: {  	[sflag:s10] =	ssyncset.done $0x0  }
0x35: {  	s15 =	simm.s32 $0x0;
	[sflag:s10] =	ssyncadd.s32 $0xFFFFD000  }
0x36: {  	v6 =	vld [tilespmem:s15+$0xC350]  }
0x37: {  	v1 =	vld [tilespmem:s15+$0xC370]  }
0x38: {  	v2 =	vld [tilespmem:s15+$0xC380]  }
0x39: {  	v0 =	vld [tilespmem:s15+$0xC360]  }
0x3a: {  	s14 =	simm.s32 $0x40  }
0x3b: {  	v3 =	vld [tilespmem:s14+$0xC370]  }
0x3c: {  	v5 =	vld [tilespmem:s14+$0xC350]  }
0x3d: {  	v4 =	vld [tilespmem:s14+$0xC380]  }
0x3e: {  	s16 =	simm.s32 $0x200;
	v6 =	vld.idx.msk [tilespmem:v6+s2+$0x0], $0xffff  }
.LBB2_2:
0x3f: {  	p1 =	sne.s32 s16, $0xBF00;
	v7 =	vld.idx.msk [tilespmem:v1+s2+$0x0], $0xffff;
	s17 =	smov.u32 s16;
	s16 =	sadd.s32 $0x100, s16  }
0x40: {  	v8 =	vld.idx.msk [tilespmem:v2+s2+$0x0], $0xffff;
	v1 =	vmov v3  }
0x41: {  	v9 =	vld.idx.msk [tilespmem:v0+s2+$0x0], $0xffff;
	v10 =	vmov v5  }
0x42: {  	v0 =	vld [tilespmem:s14+$0xC360];
	v2 =	vmov v4;
	_ =	sdelay $0x1  }
.Ltmp2:
0x43: {  	s17 =	sshra.s32 s17, $0x2;
	[tilespmem:s15+$0xF350] =	vst v6;
	(pc) =	sbr.rel @p1 .LBB2_2-.Ltmp2, $4  }
0x44: {  	v3 =	vld [tilespmem:s17+$0xC370];
	[tilespmem:s15+$0xF370] =	vst v7  }
0x45: {  	v5 =	vld [tilespmem:s17+$0xC350];
	[tilespmem:s15+$0xF380] =	vst v8  }
0x46: {  	v4 =	vld [tilespmem:s17+$0xC380];
	[tilespmem:s15+$0xF360] =	vst v9;
	s15 =	smov.u32 s14;
	s14 =	smov.u32 s17  }
0x47: {  	v6 =	vld.idx.msk [tilespmem:v10+s2+$0x0], $0xffff  }
0x48: {  	_ =	sdelay $0x3  }
0x49: {  	v1 =	vld.idx.msk [tilespmem:v1+s2+$0x0], $0xffff  }
0x4a: {  	v2 =	vld.idx.msk [tilespmem:v2+s2+$0x0], $0xffff  }
0x4b: {  	v0 =	vld.idx.msk [tilespmem:v0+s2+$0x0], $0xffff  }
0x4c: {  	v7 =	vld [tilespmem:s14+$0xC360]  }
0x4d: {  	[tilespmem:s15+$0xF350] =	vst v6  }
0x4e: {  	[tilespmem:s15+$0xF370] =	vst v1  }
0x4f: {  	[tilespmem:s15+$0xF380] =	vst v2  }
0x50: {  	[tilespmem:s15+$0xF360] =	vst v0  }
0x51: {  	v0 =	vld.idx.msk [tilespmem:v5+s2+$0x0], $0xffff  }
0x52: {  	v1 =	vld.idx.msk [tilespmem:v3+s2+$0x0], $0xffff  }
0x53: {  	v2 =	vld.idx.msk [tilespmem:v4+s2+$0x0], $0xffff  }
0x54: {  	v63 =	vld.idx.msk [tilespmem:v7+s2+$0x0], $0xffff;
	_ =	sdelay $0x1  }
0x55: {  	[tilespmem:s14+$0xF350] =	vst v0  }
0x56: {  	[tilespmem:s14+$0xF370] =	vst v1  }
0x57: {  	[tilespmem:s14+$0xF380] =	vst v2  }
.Ltmp3:
0x58: {  	[tilespmem:s14+$0xF360] =	vst v63;
	(pc) =	sbr.rel @p0 .LBB2_7-.Ltmp3, $4  }
0x59: {  	[hbm4b:s5+s2] =	stream.linear.scatter [tilespmem:s12], [sflag:$0x1], $0x3000, $0x38;
	[tilespmem:$0x12350] =	vst v63  }
0x5a: {  	_ =	swait.ge [sflag:s10], $0x3000  }
0x5b: {  	[sflag:s10] =	ssyncset.done $0x0  }
0x5c: {  	[sflag:s10] =	ssyncadd.s32 $0xFFFFD000  }
0x5d: {  	s14 =	simm.s32 $0x0  }
0x5e: {  	[tilespmem:s14], [sflag:$0x1] =	stream.linear.gather [hbm4b:s6+s14], $0xC350, $0x38;
	[tilespmem:$0x12350] =	vst v63  }
0x5f: {  	_ =	swait.ge [sflag:s10], $0xC350  }
0x60: {  	[sflag:s10] =	ssyncset.done $0x0  }
0x61: {  	[sflag:s10] =	ssyncadd.s32 $0xFFFF3CB0  }
0x62: {  	[tilespmem:s11], [sflag:$0x1] =	stream.linear.gather [hbm4b:s7+s14], $0x3000, $0x38;
	[tilespmem:$0x12350] =	vst v63  }
0x63: {  	_ =	swait.ge [sflag:s10], $0x3000  }
0x64: {  	[sflag:s10] =	ssyncset.done $0x0  }
0x65: {  	s15 =	simm.s32 $0x0;
	[sflag:s10] =	ssyncadd.s32 $0xFFFFD000  }
0x66: {  	v6 =	vld [tilespmem:s15+$0xC350]  }
0x67: {  	v1 =	vld [tilespmem:s15+$0xC370]  }
0x68: {  	v2 =	vld [tilespmem:s15+$0xC380]  }
0x69: {  	v0 =	vld [tilespmem:s15+$0xC360]  }
0x6a: {  	s14 =	simm.s32 $0x40  }
0x6b: {  	v3 =	vld [tilespmem:s14+$0xC370]  }
0x6c: {  	v5 =	vld [tilespmem:s14+$0xC350]  }
0x6d: {  	v4 =	vld [tilespmem:s14+$0xC380]  }
0x6e: {  	s16 =	simm.s32 $0x200;
	v6 =	vld.idx.msk [tilespmem:v6+s2+$0x0], $0xffff  }
.LBB2_5:
0x6f: {  	p1 =	sne.s32 s16, $0xBF00;
	v7 =	vld.idx.msk [tilespmem:v1+s2+$0x0], $0xffff;
	s17 =	smov.u32 s16;
	s16 =	sadd.s32 $0x100, s16  }
0x70: {  	v1 =	vmov v3;
	v8 =	vld.idx.msk [tilespmem:v2+s2+$0x0], $0xffff  }
0x71: {  	v10 =	vmov v5;
	v9 =	vld.idx.msk [tilespmem:v0+s2+$0x0], $0xffff  }
0x72: {  	v2 =	vmov v4;
	v0 =	vld [tilespmem:s14+$0xC360];
	_ =	sdelay $0x1  }
.Ltmp4:
0x73: {  	s17 =	sshra.s32 s17, $0x2;
	[tilespmem:s15+$0xF350] =	vst v6;
	(pc) =	sbr.rel @p1 .LBB2_5-.Ltmp4, $4  }
0x74: {  	v3 =	vld [tilespmem:s17+$0xC370];
	[tilespmem:s15+$0xF370] =	vst v7  }
0x75: {  	v5 =	vld [tilespmem:s17+$0xC350];
	[tilespmem:s15+$0xF380] =	vst v8  }
0x76: {  	v4 =	vld [tilespmem:s17+$0xC380];
	[tilespmem:s15+$0xF360] =	vst v9;
	s15 =	smov.u32 s14;
	s14 =	smov.u32 s17  }
0x77: {  	v6 =	vld.idx.msk [tilespmem:v10+s2+$0x0], $0xffff  }
.Ltmp5:
0x78: {  	_ = 	snop;
	(pc) =	sbr.rel .LBB2_6-.Ltmp5, $1  }
0x79: {  	_ =	sdelay $0x3  }
.LBB2_8:
0x7a: {  	_ =	sfence.sel $0x180000  }
0x7b: {  	[bflag:$0x0] =	sbarrier.arrive $0xFFFF  }
0x7c: {  	p0 =	sne.s32 s0, $0x0;
	_ =	strace $0x90000047  }
0x7d: {  	s0 =	sadd.s32 @!p0 $0x100000, s1;
	[bflag:$0x2] =	sbarrier.arrive $0xFFFF  }
0x7e: {  	[sflag:s0] =	ssyncadd.tile.s32 @!p0 $0x1;
	_ =	shalt  }
.Lfunc_end2:
_tile_overlayer_lowered:
.L_overlay_start_2:
0x7f: {  	(tag) =	ssettag $0x2  }
0x80: {  	s0 =	rddreg [dreg:$0x0];
	s2 =	stileid.u32  }
0x81: {  	s1 =	rddreg [dreg:$0x1];
	p0 =	sne.s32 s2, $0x0  }
0x82: {  	s3 =	rddreg [dreg:$0x2];
	[bflag:$0x3] =	sbarrier.arrive $0xFFFF;
	s2 =	simm.s32 @!p0 $0x1C01  }
0x83: {  	[timem:s3], [sflag:s2] =	dma.local @!p0 [hbm:s0], s1  }
0x84: {  	s0 =	simm.s32 @!p0 $0x1  }
0x85: {  	_ =	swait.ge @!p0 [sflag:s0], s1  }
0x86: {  	s1 =	ssub.s32 @!p0 $0x0, s1;
	[sflag:s0] =	ssyncset.done @!p0 $0x0  }
0x87: {  	[sflag:s0] =	ssyncadd.s32 @!p0 s1  }
0x88: {  	[bflag:$0x3] =	sbarrier.arrive $0xFFFF  }
0x89: {  	_ =	shalt  }

// kernel: kernel.8.cloned.1.call-start
scs
__scs_entry_jumppad:
0x0: {  	(pc) =	sbr.rel $0x88, $3  }
0x1: {  	(tag) =	ssettag $0x0;
	lr =	simm.s32 $0x1  }
0x2: {  	[smem:$0x3F9B] =	sst lr;
	_ =	strace $0xD0000000  }
0x3: {  	_ = 	snop  }
0x4: {  	_ = 	snop  }
0x5: {  	_ = 	snop  }
0x6: {  	_ = 	snop  }
0x7: {  	_ = 	snop  }
__scs_overlays_trampoline_lowered:
0x8: {  	[smem:$0x3FAA] =	sst s0  }
0x9: {  	[smem:$0x3FAB] =	sst s1  }
0xa: {  	[smem:$0x3FAC] =	sst s2  }
0xb: {  	[smem:$0x3FAD] =	sst s3  }
0xc: {  	[smem:$0x3FAE] =	sst s4  }
0xd: {  	[smem:$0x3FAF] =	sst s5  }
0xe: {  	[smem:$0x3FB0] =	sst s6  }
0xf: {  	[smem:$0x3FB1] =	sst s7  }
0x10: {  	[smem:$0x3FB2] =	sst s8  }
0x11: {  	[smem:$0x3FB3] =	sst s9;
	s0 =	simm.s32 @!p0 $0x0  }
0x12: {  	s1 =	sld [smem:$0x3F99];
	s0 =	simm.s32 @p0 $0x1  }
0x13: {  	[smem:$0x3FB4] =	sst s0;
	s0 =	simm.s32 @!p1 $0x0  }
0x14: {  	s2 =	sld [smem:$0x3F98];
	s0 =	simm.s32 @p1 $0x1  }
0x15: {  	[smem:$0x3FB5] =	sst s0;
	s0 =	simm.s32 @!p2 $0x0  }
0x16: {  	s3 =	sld [smem:$0x3FDB];
	s0 =	simm.s32 @p2 $0x1  }
0x17: {  	s4 =	simm.s32 $0x1BF5;
	[smem:$0x3FB7] =	sst s0  }
0x18: {  	s0 =	sld [smem:$0x3F9A];
	_ =	swait.ge [sflag:s4], $0x0  }
0x19: {  	s7 =	sld [smem:$0x3F9B]  }
0x1a: {  	s8 =	sadd.s32 $0xFFFFE003, lr  }
0x1b: {  	s9 =	sadd.s32 $0xFFFFFEF7, lr;
	s5 =	simm.s32 $0xFFFFFFFF;
	p2 =	slt.u32 s8, $0xFFFFF086  }
0x1c: {  	p1 =	slt.u32 s9, $0xF7A;
	s5 =	simm.s32 @!p2 $0x0  }
0x1d: {  	s5 =	simm.s32 @p1 $0x1;
	p0 =	seq.s32 s7, s2  }
0x1e: {  	s7 =	smul.u32 @!p0 $0xF7A, s2;
	p2 =	seq.s32 @!p0 s5, $0x0  }
0x1f: {  	s9 =	smul.u32 $0xF7A, s1;
	s8 =	simm.s32 @!p0 $0x1BF5;
	p2 =	por !p2, p0  }
0x20: {  	[sflag:s8] =	ssyncset.s32 @!p0 $0xFFFFF086;
	s6 =	sadd.s32 @!p0 s3, s7;
	s7 =	simm.s32 @!p0 $0x108  }
0x21: {  	s3 =	sadd.s32 s3, s9;
	s6 =	sadd.s32 @!p0 $0x88, s6;
	s7 =	simm.s32 @p2 $0x1082  }
0x22: {  	[simem:s7], [sflag:s8] =	dma.local @!p0 [hbm:s6], $0xF7A  }
0x23: {  	s9 =	sor.u32 $0xD0000000, s2;
	s6 =	simm.s32 $0x108;
	_ =	swait.ge @!p0 [sflag:s8], $0x0  }
0x24: {  	s3 =	sadd.s32 $0x88, s3;
	s6 =	simm.s32 @!p1 $0x1082;
	[sflag:s4] =	ssyncset.s32 $0xFFFFF086  }
0x25: {  	[simem:s6], [sflag:s4] =	dma.local [hbm:s3], $0xF7A  }
0x26: {  	[smem:$0x3F9B] =	sst s1;
	(tag) =	ssettag s2;
	_ =	strace s9  }
0x27: {  	s1 =	sld [smem:$0x3FAB]  }
0x28: {  	s2 =	sld [smem:$0x3FAC]  }
0x29: {  	s4 =	sld [smem:$0x3FAE]  }
0x2a: {  	p0 =	seq.s32 s5, $0x0;
	s5 =	sld [smem:$0x3FAF]  }
0x2b: {  	s6 =	sld [smem:$0x3FB0]  }
0x2c: {  	s7 =	sld [smem:$0x3FB1]  }
0x2d: {  	s3 =	simm.s32 $0x108;
	s8 =	sld [smem:$0x3FB2]  }
0x2e: {  	s3 =	simm.s32 @!p0 $0x1082;
	s9 =	sld [smem:$0x3FB3]  }
0x2f: {  	lr =	sadd.s32 s0, s3;
	s0 =	sld [smem:$0x3FAA]  }
0x30: {  	s3 =	sld [smem:$0x3FAD]  }
0x31: {  	[smem:$0x3FB6] =	sst s10  }
0x32: {  	s10 =	sld [smem:$0x3FB4];
	_ =	sdelay $0x3  }
0x33: {  	p0 =	seq.s32 s10, $0x1;
	s10 =	sld [smem:$0x3FB6];
	_ =	sdelay $0x3  }
0x34: {  	[smem:$0x3FB6] =	sst s10  }
0x35: {  	s10 =	sld [smem:$0x3FB5];
	_ =	sdelay $0x3  }
0x36: {  	p1 =	seq.s32 s10, $0x1;
	s10 =	sld [smem:$0x3FB6];
	_ =	sdelay $0x3  }
0x37: {  	[smem:$0x3FB6] =	sst s10  }
0x38: {  	s10 =	sld [smem:$0x3FB7]  }
0x39: {  	_ = 	snop;
	(pc) =	sbr.ind lr, $3  }
0x3a: {  	_ = 	snop  }
0x3b: {  	_ = 	snop  }
0x3c: {  	p2 =	seq.s32 s10, $0x1;
	s10 =	sld [smem:$0x3FB6]  }
0x3d: {  	_ =	shalt  }
0x3e: {  	_ =	shalt  }
0x3f: {  	_ =	shalt  }
0x40: {  	_ =	shalt  }
0x41: {  	_ =	shalt  }
0x42: {  	_ =	shalt  }
0x43: {  	_ =	shalt  }
0x44: {  	_ =	shalt  }
0x45: {  	_ =	shalt  }
0x46: {  	_ =	shalt  }
0x47: {  	_ =	shalt  }
0x48: {  	_ =	shalt  }
0x49: {  	_ =	shalt  }
0x4a: {  	_ =	shalt  }
0x4b: {  	_ =	shalt  }
0x4c: {  	_ =	shalt  }
0x4d: {  	_ =	shalt  }
0x4e: {  	_ =	shalt  }
0x4f: {  	_ =	shalt  }
0x50: {  	_ =	shalt  }
0x51: {  	_ =	shalt  }
0x52: {  	_ =	shalt  }
0x53: {  	_ =	shalt  }
0x54: {  	_ =	shalt  }
0x55: {  	_ =	shalt  }
0x56: {  	_ =	shalt  }
0x57: {  	_ =	shalt  }
0x58: {  	_ =	shalt  }
0x59: {  	_ =	shalt  }
0x5a: {  	_ =	shalt  }
0x5b: {  	_ =	shalt  }
0x5c: {  	_ =	shalt  }
0x5d: {  	_ =	shalt  }
0x5e: {  	_ =	shalt  }
0x5f: {  	_ =	shalt  }
0x60: {  	_ =	shalt  }
0x61: {  	_ =	shalt  }
0x62: {  	_ =	shalt  }
0x63: {  	_ =	shalt  }
0x64: {  	_ =	shalt  }
0x65: {  	_ =	shalt  }
0x66: {  	_ =	shalt  }
0x67: {  	_ =	shalt  }
0x68: {  	_ =	shalt  }
0x69: {  	_ =	shalt  }
0x6a: {  	_ =	shalt  }
0x6b: {  	_ =	shalt  }
0x6c: {  	_ =	shalt  }
0x6d: {  	_ =	shalt  }
0x6e: {  	_ =	shalt  }
0x6f: {  	_ =	shalt  }
0x70: {  	_ =	shalt  }
0x71: {  	_ =	shalt  }
0x72: {  	_ =	shalt  }
0x73: {  	_ =	shalt  }
0x74: {  	_ =	shalt  }
0x75: {  	_ =	shalt  }
0x76: {  	_ =	shalt  }
0x77: {  	_ =	shalt  }
0x78: {  	_ =	shalt  }
0x79: {  	_ =	shalt  }
0x7a: {  	_ =	shalt  }
0x7b: {  	_ =	shalt  }
0x7c: {  	_ =	shalt  }
0x7d: {  	_ =	shalt  }
0x7e: {  	_ =	shalt  }
0x7f: {  	_ =	shalt  }
0x80: {  	_ =	shalt  }
0x81: {  	_ =	shalt  }
0x82: {  	_ =	shalt  }
0x83: {  	_ =	shalt  }
0x84: {  	_ =	shalt  }
0x85: {  	_ =	shalt  }
0x86: {  	_ =	shalt  }
0x87: {  	_ =	shalt  }
.Lfunc_end0:
.L_simem_size_0:
called_computation.1_lowered:
.L_overlay_start_0:
0x88: {  	s2 =	sld [smem:$0x3FD9]  }
0x89: {  	s3 =	sld [smem:$0x3FFE];
	_ =	sdelay $0x1  }
0x8a: {  	s1 =	srdreg.scid  }
0x8b: {  	s0 =	sand.u32 $0x1, s1  }
0x8c: {  	s17 =	sshll.u32 s0, $0xA;
	s2 =	sadd.s32 s3, s2  }
0x8d: {  	s2 =	sadd.s32 s2, s17  }
0x8e: {  	[smem:$0x3FC2] =	sst s2  }
0x8f: {  	_ = 	snop  }
0x90: {  	(tm) =	ssettm $0x1  }
0x91: {  	s18 =	sld [smem:$0x3FFB];
	_ =	sdelay $0x3  }
0x92: {  	_ =	strace s18  }
0x93: {  	s2 =	sld [smem:$0x3FFC];
	_ =	sdelay $0x3  }
0x94: {  	_ =	strace s2  }
0x95: {  	s2 =	sld [smem:$0x3FFD];
	_ =	sdelay $0x3  }
0x96: {  	_ =	strace s2  }
0x97: {  	_ =	strace $0x8FFFFFFF  }
0x98: {  	s19 =	sld [smem:$0x3FDB];
	_ =	sdelay $0x1  }
0x99: {  	s20 =	simm.s32 $_scs_section_size  }
0x9a: {  	s4 =	simm.s32 $_size__tile_overlayer_lowered;
	s5 =	simm.s32 $_tile_overlayer_lowered  }
0x9b: {  	s6 =	simm.s32 $0x1BFF;
	s21 =	sshll.u32 s5, $0x1;
	s3 =	sadd.s32 s20, s19  }
0x9c: {  	s22 =	simm.s32 $0x0;
	s4 =	sshll.u32 s4, $0x1;
	s5 =	sadd.s32 s21, s3  }
0x9d: {  	[timem:s22], [sflag:s6] =	dma.local [hbm:s5], s4  }
0x9e: {  	_ =	swait.ge [sflag:s6], s4  }
0x9f: {  	s4 =	ssub.s32 $0x0, s4;
	[sflag:s6] =	ssyncset.done $0x0  }
0xa0: {  	[sflag:s6] =	ssyncadd.s32 s4;
	_ =	sdelay $0x1  }
0xa1: {  	s23 =	simm.s32 $0x1B8B  }
0xa2: {  	_ =	swait.ge [sflag:s23], $0x1  }
0xa3: {  	[sflag:s23] =	ssyncset.done $0x0  }
0xa4: {  	[sflag:s23] =	ssyncadd.s32 $0xFFFFFFFF  }
0xa5: {  	s4 =	sld [smem:$0x0]  }
0xa6: {  	s5 =	sand.u32 $0xFFFFFFFE, s1  }
0xa7: {  	p0 =	sne.s32 s1, s5  }
0xa8: {  	s5 =	sshll.u32 @p0 s5, $0xE  }
0xa9: {  	s5 =	sadd.s32 @p0 $0x11B8D, s5;
	s6 =	sshll.u32 @p0 s4, $0x11  }
0xaa: {  	s5 =	sor.u32 @p0 s6, s5  }
0xab: {  	[sflag:s5] =	ssyncadd.remote.s32 @p0 $0x1;
	_ =	sdelay $0x1  }
0xac: {  	s5 =	simm.s32 @p0 $0x1B8D  }
0xad: {  	_ =	swait.eq @p0 [sflag:s5], $0x1  }
0xae: {  	[sflag:s5] =	ssyncadd.s32 @p0 $0xFFFFFFFF  }
0xaf: {  	s6 =	sshll.u32 @!p0 s1, $0xE  }
0xb0: {  	s6 =	sor.u32 @!p0 $0x4000, s6;
	s5 =	simm.s32 @!p0 $0x1B8D  }
0xb1: {  	s4 =	sshll.u32 @!p0 s4, $0x11;
	s6 =	sadd.s32 @!p0 $0x11B8D, s6;
	_ =	swait.eq @!p0 [sflag:s5], $0x1  }
0xb2: {  	s4 =	sor.u32 @!p0 s4, s6;
	[sflag:s5] =	ssyncadd.s32 @!p0 $0xFFFFFFFF  }
0xb3: {  	s25 =	simm.s32 $0x1B8E;
	s24 =	sld [smem:$0x3FFE];
	[sflag:s4] =	ssyncadd.remote.s32 @!p0 $0x1  }
0xb4: {  	s26 =	simm.s32 $execute0_lowered;
	[smem:$0x3FD2] =	sst s25  }
0xb5: {  	s5 =	sshll.u32 s26, $0x1;
	_ =	strace $0x80000049;
	[dreg:$0x1] =	wrdreg $0xFFFFFFFF  }
0xb6: {  	s28 =	simm.s32 $_size_execute0_lowered;
	s3 =	sadd.s32 s3, s5;
	[dreg:$0x0] =	wrdreg $0x0  }
0xb7: {  	s5 =	sshll.u32 s28, $0x1;
	[dreg:$0x2] =	wrdreg s3  }
0xb8: {  	[dreg:$0x3] =	wrdreg s5  }
0xb9: {  	[dreg:$0x4] =	wrdreg $0xC0  }
0xba: {  	_ =	task [dreg:s22], $0x5FFFF  }
0xbb: {  	[dreg:$0x1] =	wrdreg $0xFFFFFFFF  }
0xbc: {  	[dreg:$0x0] =	wrdreg $0x60  }
0xbd: {  	[dreg:$0x2] =	wrdreg s24  }
0xbe: {  	[dreg:$0x3] =	wrdreg $0xA  }
0xbf: {  	_ =	task.clear_ibuf [dreg:s22], $0x4FFFF;
	_ =	strace $0x90000049  }
0xc0: {  	s29 =	simm.s32 $0xA;
	_ =	strace $0x8000004B  }
0xc1: {  	_ =	swait.ge [sflag:s29], $0x1  }
0xc2: {  	[sflag:s29] =	ssyncadd.s32 $0xFFFFFFFF  }
0xc3: {  	_ =	strace $0x9000004B  }
0xc4: {  	_ =	sfence  }
0xc5: {  	s30 =	sld [smem:$0x0];
	_ =	sdelay $0x2  }
0xc6: {  	s31 =	sshll.u32 s1, $0xD;
	s1 =	sshrl.u32 s1, $0x2  }
0xc7: {  	s4 =	sand.u32 $0x4000, s31;
	s1 =	sadd.s32 s1, s30  }
0xc8: {  	s0 =	sor.u32 s4, s0;
	s1 =	sshll.u32 s1, $0x11  }
0xc9: {  	s0 =	sor.u32 s1, s0  }
0xca: {  	s0 =	sadd.s32 $0x8F2B, s0  }
0xcb: {  	[sflag:s0] =	ssyncadd.remote.s32 $0x1  }
0xcc: {  	_ =	sfence.sel $0xFFFF  }
0xcd: {  	[dreg:$0x0] =	wrdreg $0xFFFFFFFF;
	(pc) =	sbr.abs _section_cstart, $3  }
0xce: {  	[dreg:$0x1] =	wrdreg $0xFFFFFFFF  }
0xcf: {  	_ =	task.clear_ibuf [dreg:s22], $0x2FFFF;
	_ =	strace $0x9FFFFFFF  }
0xd0: {  	(tm) =	ssettm $0x7FFFFFFF  }
0xd1: {  	_ =	shalt  }
tec
execute0_lowered:
.L_overlay_start_1:
0x0: {  	(tag) =	ssettag $0x1  }
0x1: {  	s8 =	rddreg [dreg:$0x0]  }
0x2: {  	s0 =	rddreg [dreg:$0x1]  }
0x3: {  	s1 =	stileid.u32;
	s3 =	srdreg.scid  }
0x4: {  	s2 =	simm.s32 $0x0;
	s3 =	sand.u32 $0x1, s3;
	s4 =	sshll.u32 s1, $0x1  }
0x5: {  	s6 =	simm.s32 $0x600;
	s12 =	simm.s32 $0xC350;
	s5 =	sor.u32 s3, s4  }
0x6: {  	[smem:$0x7FF] =	sst s2;
	p0 =	seq.s32 s1, $0xF;
	s7 =	sor.u32 $0x20, s5  }
0x7: {  	s24 =	sadd.s32 $0x75800, s8;
	s13 =	sadd.s32 $0xD1200, s8;
	s9 =	sand.u32 $0xFF, s7  }
0x8: {  	_ =	strace $0x8000004A;
	s6 =	simm.s32 @!p0 $0x0;
	s23 =	smul.u32 $0x89, s9  }
0x9: {  	p1 =	slt.u32 s4, $0x1E;
	s3 =	ssub.s32 $0x2, s3;
	s12 =	simm.s32 @!p0 $0x0  }
0xa: {  	s10 =	sadd.s32 $0xFFFFFFE2, s5;
	s6 =	sadd.s32 s6, s8;
	s4 =	sshrl.u32 s23, $0xC  }
0xb: {  	s11 =	sshrl.u32 s3, $0x1;
	s10 =	smov.u32 @p1 s5;
	s4 =	smul.u32 $0x1E, s4  }
0xc: {  	s8 =	sadd.s32 $0x1800, s8;
	s11 =	ssub.s32 s3, s11;
	s5 =	smul.u32 $0x186A0, s10  }
0xd: {  	s3 =	simm.s32 $0xC350;
	s10 =	smul.u32 $0x3000, s10;
	s4 =	ssub.s32 s7, s4  }
0xe: {  	s5 =	sadd.s32 s12, s5;
	s12 =	simm.s32 $0xF350;
	s25 =	sand.u32 $0xFF, s4  }
0xf: {  	s26 =	sshrl.u32 s5, $0x3;
	s7 =	simm.s32 $0x60000;
	s14 =	smul.u32 $0x186A0, s25  }
0x10: {  	s5 =	sadd.s32 $0x1200, s6;
	s7 =	simm.s32 @!p0 $0x0;
	s28 =	smul.u32 $0x3000, s25  }
.Ltmp0:
0x11: {  	s4 =	sadd.s32 s24, s26;
	p0 =	sgt.u32 s1, $0xD;
	(pc) =	sbr.rel .LBB2_1-.Ltmp0, $4  }
0x12: {  	s7 =	sadd.s32 s7, s10;
	s10 =	smax.u32 s11, $0x1;
	s11 =	simm.s32 $0x1  }
0x13: {  	s29 =	sshrl.u32 s7, $0x3;
	s30 =	sshrl.u32 s14, $0x3;
	s31 =	sshrl.u32 s28, $0x3  }
0x14: {  	s6 =	sadd.s32 s13, s29;
	s7 =	sadd.s32 s24, s30;
	s9 =	sadd.s32 s13, s31  }
0x15: {  	s13 =	simm.s32 $0x0;
	s7 =	sadd.s32 $0x186A, s7;
	s9 =	sadd.s32 $0xC000, s9  }
.LBB2_6:
0x16: {  	_ =	sdelay $0x3  }
0x17: {  	v1 =	vld.idx.msk [tilespmem:v1+s2+$0x0], $0xffff  }
0x18: {  	v2 =	vld.idx.msk [tilespmem:v2+s2+$0x0], $0xffff  }
0x19: {  	v0 =	vld.idx.msk [tilespmem:v0+s2+$0x0], $0xffff  }
0x1a: {  	v7 =	vld [tilespmem:s14+$0xC360]  }
0x1b: {  	[tilespmem:s15+$0xF350] =	vst v6  }
0x1c: {  	[tilespmem:s15+$0xF370] =	vst v1  }
0x1d: {  	[tilespmem:s15+$0xF380] =	vst v2  }
0x1e: {  	[tilespmem:s15+$0xF360] =	vst v0  }
0x1f: {  	v0 =	vld.idx.msk [tilespmem:v5+s2+$0x0], $0xffff  }
0x20: {  	v1 =	vld.idx.msk [tilespmem:v3+s2+$0x0], $0xffff  }
0x21: {  	v2 =	vld.idx.msk [tilespmem:v4+s2+$0x0], $0xffff  }
0x22: {  	v63 =	vld.idx.msk [tilespmem:v7+s2+$0x0], $0xffff;
	_ =	sdelay $0x1  }
0x23: {  	[tilespmem:s14+$0xF350] =	vst v0  }
0x24: {  	[tilespmem:s14+$0xF370] =	vst v1  }
0x25: {  	[tilespmem:s14+$0xF380] =	vst v2  }
0x26: {  	[tilespmem:s14+$0xF360] =	vst v63  }
0x27: {  	[hbm4b:s9+s2] =	stream.linear.scatter [tilespmem:s12], [sflag:$0x1], $0x3000, $0x38;
	[tilespmem:$0x12350] =	vst v63  }
0x28: {  	_ =	swait.ge [sflag:s11], $0x3000  }
0x29: {  	[sflag:s11] =	ssyncset.done $0x0  }
0x2a: {  	[sflag:s11] =	ssyncadd.s32 $0xFFFFD000  }
.LBB2_7:
0x2b: {  	s13 =	sadd.s32 $0x1, s13  }
0x2c: {  	p1 =	sne.s32 s13, s10  }
.Ltmp1:
0x2d: {  	_ = 	snop;
	(pc) =	sbr.rel @!p1 .LBB2_8-.Ltmp1, $1  }
0x2e: {  	_ =	sdelay $0x3  }
.LBB2_1:
0x2f: {  	[tilespmem:s2], [sflag:$0x1] =	stream.linear.gather [hbm4b:s4+s2], $0xC350, $0x38;
	[tilespmem:$0x12350] =	vst v63  }
0x30: {  	_ =	swait.ge [sflag:s11], $0xC350  }
0x31: {  	[sflag:s11] =	ssyncset.done $0x0  }
0x32: {  	[sflag:s11] =	ssyncadd.s32 $0xFFFF3CB0  }
0x33: {  	[tilespmem:s3], [sflag:$0x1] =	stream.linear.gather [hbm4b:s5+s2], $0x3000, $0x38;
	[tilespmem:$0x12350] =	vst v63  }
0x34: {  	_ =	swait.ge [sflag:s11], $0x3000  }
0x35: {  	[sflag:s11] =	ssyncset.done $0x0  }
0x36: {  	s15 =	simm.s32 $0x0;
	[sflag:s11] =	ssyncadd.s32 $0xFFFFD000  }
0x37: {  	v6 =	vld [tilespmem:s15+$0xC350]  }
0x38: {  	v1 =	vld [tilespmem:s15+$0xC370]  }
0x39: {  	v2 =	vld [tilespmem:s15+$0xC380]  }
0x3a: {  	v0 =	vld [tilespmem:s15+$0xC360]  }
0x3b: {  	s14 =	simm.s32 $0x40  }
0x3c: {  	v3 =	vld [tilespmem:s14+$0xC370]  }
0x3d: {  	v5 =	vld [tilespmem:s14+$0xC350]  }
0x3e: {  	v4 =	vld [tilespmem:s14+$0xC380]  }
0x3f: {  	s16 =	simm.s32 $0x200;
	v6 =	vld.idx.msk [tilespmem:v6+s2+$0x0], $0xffff  }
.LBB2_2:
0x40: {  	p1 =	sne.s32 s16, $0xBF00;
	v7 =	vld.idx.msk [tilespmem:v1+s2+$0x0], $0xffff;
	s17 =	smov.u32 s16;
	s16 =	sadd.s32 $0x100, s16  }
0x41: {  	v8 =	vld.idx.msk [tilespmem:v2+s2+$0x0], $0xffff;
	v1 =	vmov v3  }
0x42: {  	v9 =	vld.idx.msk [tilespmem:v0+s2+$0x0], $0xffff;
	v10 =	vmov v5  }
0x43: {  	v0 =	vld [tilespmem:s14+$0xC360];
	v2 =	vmov v4;
	_ =	sdelay $0x1  }
.Ltmp2:
0x44: {  	s17 =	sshra.s32 s17, $0x2;
	[tilespmem:s15+$0xF350] =	vst v6;
	(pc) =	sbr.rel @p1 .LBB2_2-.Ltmp2, $4  }
0x45: {  	v3 =	vld [tilespmem:s17+$0xC370];
	[tilespmem:s15+$0xF370] =	vst v7  }
0x46: {  	v5 =	vld [tilespmem:s17+$0xC350];
	[tilespmem:s15+$0xF380] =	vst v8  }
0x47: {  	v4 =	vld [tilespmem:s17+$0xC380];
	[tilespmem:s15+$0xF360] =	vst v9;
	s15 =	smov.u32 s14;
	s14 =	smov.u32 s17  }
0x48: {  	v6 =	vld.idx.msk [tilespmem:v10+s2+$0x0], $0xffff  }
0x49: {  	_ =	sdelay $0x3  }
0x4a: {  	v1 =	vld.idx.msk [tilespmem:v1+s2+$0x0], $0xffff  }
0x4b: {  	v2 =	vld.idx.msk [tilespmem:v2+s2+$0x0], $0xffff  }
0x4c: {  	v0 =	vld.idx.msk [tilespmem:v0+s2+$0x0], $0xffff  }
0x4d: {  	v7 =	vld [tilespmem:s14+$0xC360]  }
0x4e: {  	[tilespmem:s15+$0xF350] =	vst v6  }
0x4f: {  	[tilespmem:s15+$0xF370] =	vst v1  }
0x50: {  	[tilespmem:s15+$0xF380] =	vst v2  }
0x51: {  	[tilespmem:s15+$0xF360] =	vst v0  }
0x52: {  	v0 =	vld.idx.msk [tilespmem:v5+s2+$0x0], $0xffff  }
0x53: {  	v1 =	vld.idx.msk [tilespmem:v3+s2+$0x0], $0xffff  }
0x54: {  	v2 =	vld.idx.msk [tilespmem:v4+s2+$0x0], $0xffff  }
0x55: {  	v63 =	vld.idx.msk [tilespmem:v7+s2+$0x0], $0xffff;
	_ =	sdelay $0x1  }
0x56: {  	[tilespmem:s14+$0xF350] =	vst v0  }
0x57: {  	[tilespmem:s14+$0xF370] =	vst v1  }
0x58: {  	[tilespmem:s14+$0xF380] =	vst v2  }
.Ltmp3:
0x59: {  	[tilespmem:s14+$0xF360] =	vst v63;
	(pc) =	sbr.rel @p0 .LBB2_7-.Ltmp3, $4  }
0x5a: {  	[hbm4b:s6+s2] =	stream.linear.scatter [tilespmem:s12], [sflag:$0x1], $0x3000, $0x38;
	[tilespmem:$0x12350] =	vst v63  }
0x5b: {  	_ =	swait.ge [sflag:s11], $0x3000  }
0x5c: {  	[sflag:s11] =	ssyncset.done $0x0  }
0x5d: {  	[sflag:s11] =	ssyncadd.s32 $0xFFFFD000  }
0x5e: {  	s14 =	simm.s32 $0x0  }
0x5f: {  	[tilespmem:s14], [sflag:$0x1] =	stream.linear.gather [hbm4b:s7+s14], $0xC350, $0x38;
	[tilespmem:$0x12350] =	vst v63  }
0x60: {  	_ =	swait.ge [sflag:s11], $0xC350  }
0x61: {  	[sflag:s11] =	ssyncset.done $0x0  }
0x62: {  	[sflag:s11] =	ssyncadd.s32 $0xFFFF3CB0  }
0x63: {  	[tilespmem:s3], [sflag:$0x1] =	stream.linear.gather [hbm4b:s8+s14], $0x3000, $0x38;
	[tilespmem:$0x12350] =	vst v63  }
0x64: {  	_ =	swait.ge [sflag:s11], $0x3000  }
0x65: {  	[sflag:s11] =	ssyncset.done $0x0  }
0x66: {  	s15 =	simm.s32 $0x0;
	[sflag:s11] =	ssyncadd.s32 $0xFFFFD000  }
0x67: {  	v6 =	vld [tilespmem:s15+$0xC350]  }
0x68: {  	v1 =	vld [tilespmem:s15+$0xC370]  }
0x69: {  	v2 =	vld [tilespmem:s15+$0xC380]  }
0x6a: {  	v0 =	vld [tilespmem:s15+$0xC360]  }
0x6b: {  	s14 =	simm.s32 $0x40  }
0x6c: {  	v3 =	vld [tilespmem:s14+$0xC370]  }
0x6d: {  	v5 =	vld [tilespmem:s14+$0xC350]  }
0x6e: {  	v4 =	vld [tilespmem:s14+$0xC380]  }
0x6f: {  	s16 =	simm.s32 $0x200;
	v6 =	vld.idx.msk [tilespmem:v6+s2+$0x0], $0xffff  }
.LBB2_5:
0x70: {  	p1 =	sne.s32 s16, $0xBF00;
	v7 =	vld.idx.msk [tilespmem:v1+s2+$0x0], $0xffff;
	s17 =	smov.u32 s16;
	s16 =	sadd.s32 $0x100, s16  }
0x71: {  	v1 =	vmov v3;
	v8 =	vld.idx.msk [tilespmem:v2+s2+$0x0], $0xffff  }
0x72: {  	v10 =	vmov v5;
	v9 =	vld.idx.msk [tilespmem:v0+s2+$0x0], $0xffff  }
0x73: {  	v2 =	vmov v4;
	v0 =	vld [tilespmem:s14+$0xC360];
	_ =	sdelay $0x1  }
.Ltmp4:
0x74: {  	s17 =	sshra.s32 s17, $0x2;
	[tilespmem:s15+$0xF350] =	vst v6;
	(pc) =	sbr.rel @p1 .LBB2_5-.Ltmp4, $4  }
0x75: {  	v3 =	vld [tilespmem:s17+$0xC370];
	[tilespmem:s15+$0xF370] =	vst v7  }
0x76: {  	v5 =	vld [tilespmem:s17+$0xC350];
	[tilespmem:s15+$0xF380] =	vst v8  }
0x77: {  	v4 =	vld [tilespmem:s17+$0xC380];
	[tilespmem:s15+$0xF360] =	vst v9;
	s15 =	smov.u32 s14;
	s14 =	smov.u32 s17  }
0x78: {  	v6 =	vld.idx.msk [tilespmem:v10+s2+$0x0], $0xffff  }
.Ltmp5:
0x79: {  	_ = 	snop;
	(pc) =	sbr.rel .LBB2_6-.Ltmp5, $1  }
0x7a: {  	_ =	sdelay $0x3  }
.LBB2_8:
0x7b: {  	_ =	sfence.sel $0x180000  }
0x7c: {  	[bflag:$0x0] =	sbarrier.arrive $0xFFFF  }
0x7d: {  	p0 =	sne.s32 s1, $0x0;
	_ =	strace $0x9000004A  }
0x7e: {  	s0 =	sadd.s32 @!p0 $0x100000, s0;
	[bflag:$0x2] =	sbarrier.arrive $0xFFFF  }
0x7f: {  	[sflag:s0] =	ssyncadd.tile.s32 @!p0 $0x1;
	_ =	shalt  }
.Lfunc_end2:
_tile_overlayer_lowered:
.L_overlay_start_2:
0x80: {  	(tag) =	ssettag $0x2  }
0x81: {  	s0 =	rddreg [dreg:$0x0];
	s2 =	stileid.u32  }
0x82: {  	s1 =	rddreg [dreg:$0x1];
	p0 =	sne.s32 s2, $0x0  }
0x83: {  	s3 =	rddreg [dreg:$0x2];
	[bflag:$0x3] =	sbarrier.arrive $0xFFFF;
	s2 =	simm.s32 @!p0 $0x1C01  }
0x84: {  	[timem:s3], [sflag:s2] =	dma.local @!p0 [hbm:s0], s1  }
0x85: {  	s0 =	simm.s32 @!p0 $0x1  }
0x86: {  	_ =	swait.ge @!p0 [sflag:s0], s1  }
0x87: {  	s1 =	ssub.s32 @!p0 $0x0, s1;
	[sflag:s0] =	ssyncset.done @!p0 $0x0  }
0x88: {  	[sflag:s0] =	ssyncadd.s32 @!p0 s1  }
0x89: {  	[bflag:$0x3] =	sbarrier.arrive $0xFFFF  }
0x8a: {  	_ =	shalt  }

</sc_bundles>
